<compile_context>
chip_gen: v7x
topology: tpu7x:2x2x1
jax: 0.10.2.dev20260603
libtpu: 0.0.44.dev20260713+nightly
codegen_flags: <defaults>
</compile_context>

<pallas_src>
import functools

import jax
import jax.numpy as jnp
from jax import lax
from jax.experimental import pallas as pl
from jax.experimental.pallas import tpu as pltpu
from jax.experimental.pallas import tpu_sc as plsc

MAXLEN = 200
EMBED_DIM = 64
BATCH = 4096
NROWS = MAXLEN * EMBED_DIM
LANES = 16
NUM_CORES = 2
NUM_SUBCORES = 16
NUM_WORKERS = NUM_CORES * NUM_SUBCORES
ROWS_PER_WORKER = NROWS // NUM_WORKERS
RCHUNK = 4
NCHUNK = ROWS_PER_WORKER // RCHUNK
VSLICES = BATCH // LANES
NBUF = 3
N_OUTER = (NCHUNK + NBUF - 1) // NBUF

_mesh = plsc.VectorSubcoreMesh(core_axis_name="c", subcore_axis_name="s")

_VMEM_BUF = pltpu.VMEM((RCHUNK, BATCH), jnp.float32)


@functools.partial(
    pl.kernel,
    mesh=_mesh,
    out_type=jax.ShapeDtypeStruct((NROWS, BATCH), jnp.float32),
    scratch_types=(
        [pltpu.VMEM((ROWS_PER_WORKER + LANES,), jnp.float32)]
        + [_VMEM_BUF] * (2 * NBUF)
        + [pltpu.SemaphoreType.DMA] * (2 * NBUF)
    ),
)
def _sc_add(x_hbm, pos_hbm, out_hbm, pos_v, *scratch):
    ins = scratch[:NBUF]
    ous = scratch[NBUF:2 * NBUF]
    sis = scratch[2 * NBUF:3 * NBUF]
    sos = scratch[3 * NBUF:4 * NBUF]
    wid = lax.axis_index("s") * NUM_CORES + lax.axis_index("c")
    base = wid * ROWS_PER_WORKER
    pltpu.sync_copy(pos_hbm.at[pl.ds(base, ROWS_PER_WORKER)],
                    pos_v.at[pl.ds(0, ROWS_PER_WORKER)])

    for b in range(NBUF):
        pltpu.async_copy(x_hbm.at[pl.ds(base + b * RCHUNK, RCHUNK)],
                         ins[b], sis[b])

    def outer(i, carry):
        c0 = i * NBUF
        for b in range(NBUF):
            c = c0 + b

            @pl.when(c < NCHUNK)
            def _():
                row0 = base + c * RCHUNK
                in_b = ins[b]
                ou_b = ous[b]

                pltpu.make_async_copy(
                    x_hbm.at[pl.ds(row0, RCHUNK)], in_b, sis[b]
                ).wait()

                @pl.when(c >= NBUF)
                def _():
                    pltpu.make_async_copy(
                        ou_b, out_hbm.at[pl.ds(row0, RCHUNK)], sos[b]
                    ).wait()

                pvec = pos_v[pl.ds(c * RCHUNK, LANES)]
                for r in range(RCHUNK):
                    pv = jnp.full((LANES,), pvec[r], jnp.float32)

                    @plsc.parallel_loop(0, VSLICES, 1, unroll=16)
                    def _(j):
                        ou_b[r, pl.ds(j * LANES, LANES)] = (
                            in_b[r, pl.ds(j * LANES, LANES)] + pv
                        )

                @pl.when(c < NCHUNK - NBUF)
                def _():
                    pltpu.async_copy(
                        x_hbm.at[pl.ds(row0 + NBUF * RCHUNK, RCHUNK)],
                        in_b, sis[b],
                    )

                pltpu.async_copy(ou_b, out_hbm.at[pl.ds(row0, RCHUNK)],
                                 sos[b])
        return carry

    lax.fori_loop(0, N_OUTER, outer, 0)

    for k in range(NCHUNK - NBUF, NCHUNK):
        row0 = base + k * RCHUNK
        pltpu.make_async_copy(ous[k % NBUF],
                              out_hbm.at[pl.ds(row0, RCHUNK)],
                              sos[k % NBUF]).wait()


def kernel(x, pos_table):
    x2 = jnp.transpose(x, (1, 2, 0)).reshape(NROWS, BATCH)
    pos_flat = pos_table.reshape(NROWS)
    out2 = _sc_add(x2, pos_flat)
    return jnp.transpose(out2.reshape(MAXLEN, EMBED_DIM, BATCH), (2, 0, 1))

# --- scband reference (transcript-rebuilt; emitter-appended) ---
"""Pipeline reference for scband-token-and-position-embedding-14774687498756 (READ-ONLY COPY).

The authoritative reference and input builder live on the scoring server;
editing this copy changes nothing except your own understanding.
"""

import jax, jax.numpy as jnp
import numpy as np

MAXLEN = 200
EMBED_DIM = 64
BATCH = 4096

def setup_inputs(seed: int = 0) -> dict:
    key = jax.random.key(seed)
    k1, k2 = jax.random.split(key)
    x = jax.random.normal(k1, (BATCH, MAXLEN, EMBED_DIM), dtype=jnp.float32)
    # learned positional embedding table: [maxlen, embed_dim]
    pos_table = jax.random.normal(k2, (MAXLEN, EMBED_DIM), dtype=jnp.float32) * 0.02
    return {"x": x, "pos_table": pos_table}

def reference(x, pos_table):
    # positions = tf.range(0, maxlen); pos_emb lookup; broadcast-add to x
    positions = jnp.arange(0, MAXLEN, 1)
    pos = jnp.take(pos_table, positions, axis=0)  # [maxlen, embed_dim]
    return x + pos  # broadcast over batch

if __name__ == "__main__":
    import jax
    _d = setup_inputs()
    print(jax.jit(kernel)(*tuple(_d.values())))

</pallas_src>

<mosaic_0001>
#map = affine_map<(d0, d1) -> (0, 0)>
#map1 = affine_map<(d0, d1) -> (0)>
module attributes {stable_mosaic.version = 14 : i64} {
  func.func @_sc_add(%arg0: i32, %arg1: i32, %arg2: memref<12800x4096xf32, #tpu.memory_space<hbm>>, %arg3: memref<12800xf32, #tpu.memory_space<hbm>>, %arg4: memref<12800x4096xf32, #tpu.memory_space<hbm>>, %arg5: memref<416xf32, #tpu.memory_space<vmem>>, %arg6: memref<4x4096xf32, #tpu.memory_space<vmem>>, %arg7: memref<4x4096xf32, #tpu.memory_space<vmem>>, %arg8: memref<4x4096xf32, #tpu.memory_space<vmem>>, %arg9: memref<4x4096xf32, #tpu.memory_space<vmem>>, %arg10: memref<4x4096xf32, #tpu.memory_space<vmem>>, %arg11: memref<4x4096xf32, #tpu.memory_space<vmem>>, %arg12: memref<!tpu.dma_semaphore, #tpu.memory_space<semaphore_mem>>, %arg13: memref<!tpu.dma_semaphore, #tpu.memory_space<semaphore_mem>>, %arg14: memref<!tpu.dma_semaphore, #tpu.memory_space<semaphore_mem>>, %arg15: memref<!tpu.dma_semaphore, #tpu.memory_space<semaphore_mem>>, %arg16: memref<!tpu.dma_semaphore, #tpu.memory_space<semaphore_mem>>, %arg17: memref<!tpu.dma_semaphore, #tpu.memory_space<semaphore_mem>>) attributes {dimension_semantics = [#tpu.dimension_semantics<core_parallel>, #tpu.dimension_semantics<subcore_parallel>], iteration_bounds = array<i64: 2, 16>, scalar_prefetch = 0 : i64, scratch_operands = 13 : i64, tpu.core_type = #tpu.core_type<sc_vector_subcore>, window_params = [{transform_indices = #map}, {transform_indices = #map1}, {transform_indices = #map}]} {
    %mul3A = arith.constant 2 : i32
    %mul3A_0 = arith.muli %arg1, %mul3A : i32
    %add3A = arith.addi %mul3A_0, %arg0 : i32
    %mul3A_1 = arith.constant 400 : i32
    %mul3A_2 = arith.muli %add3A, %mul3A_1 : i32
    "tpu.region"() ({
      %run_scoped3A = tpu.sem_alloc : memref<!tpu.dma_semaphore, #tpu.memory_space<semaphore_mem>>
      %dma_start3A_42 = arith.constant 0 : i32
      %dma_start3A_43 = tpu.memref_slice %arg5[%dma_start3A_42] : memref<416xf32, #tpu.memory_space<vmem>> -> memref<400xf32, #tpu.memory_space<vmem>>
      %dma_start3A_44 = tpu.memref_slice %arg3[%mul3A_2] : memref<12800xf32, #tpu.memory_space<hbm>> -> memref<400xf32, #tpu.memory_space<hbm>>
      %dma_start3A_45 = arith.constant 0 : i32
      %dma_start3A_46 = tpu.memref_slice %arg5[%dma_start3A_45] : memref<416xf32, #tpu.memory_space<vmem>> -> memref<400xf32, #tpu.memory_space<vmem>>
      %dma_start3A_47 = tpu.memref_slice %arg3[%mul3A_2] : memref<12800xf32, #tpu.memory_space<hbm>> -> memref<400xf32, #tpu.memory_space<hbm>>
      tpu.enqueue_dma source(%dma_start3A_47 : memref<400xf32, #tpu.memory_space<hbm>>) target(%dma_start3A_46 : memref<400xf32, #tpu.memory_space<vmem>>) target_semaphore(%run_scoped3A : memref<!tpu.dma_semaphore, #tpu.memory_space<semaphore_mem>>)
      %dma_wait3A_48 = arith.constant 0 : i32
      %dma_wait3A_49 = tpu.memref_slice %arg5[%dma_wait3A_48] : memref<416xf32, #tpu.memory_space<vmem>> -> memref<400xf32, #tpu.memory_space<vmem>>
      %dma_wait3A_50 = tpu.memref_slice %arg3[%mul3A_2] : memref<12800xf32, #tpu.memory_space<hbm>> -> memref<400xf32, #tpu.memory_space<hbm>>
      %dma_wait3A_51 = arith.constant 0 : i32
      %dma_wait3A_52 = tpu.memref_slice %arg5[%dma_wait3A_51] : memref<416xf32, #tpu.memory_space<vmem>> -> memref<400xf32, #tpu.memory_space<vmem>>
      %dma_wait3A_53 = tpu.memref_slice %arg3[%mul3A_2] : memref<12800xf32, #tpu.memory_space<hbm>> -> memref<400xf32, #tpu.memory_space<hbm>>
      tpu.wait_dma2 semaphore(%run_scoped3A : memref<!tpu.dma_semaphore, #tpu.memory_space<semaphore_mem>>) src(%dma_wait3A_53 : memref<400xf32, #tpu.memory_space<hbm>>) dst(%dma_wait3A_52 : memref<400xf32, #tpu.memory_space<vmem>>)
      tpu.yield
    }) : () -> ()
    %add3A_3 = arith.constant 0 : i32
    %add3A_4 = arith.addi %mul3A_2, %add3A_3 : i32
    %dma_start3A = arith.constant 0 : i32
    %dma_start3A_5 = tpu.memref_slice %arg2[%add3A_4, %dma_start3A] : memref<12800x4096xf32, #tpu.memory_space<hbm>> -> memref<4x4096xf32, #tpu.memory_space<hbm>>
    %dma_start3A_6 = arith.constant 0 : i32
    %dma_start3A_7 = tpu.memref_slice %arg2[%add3A_4, %dma_start3A_6] : memref<12800x4096xf32, #tpu.memory_space<hbm>> -> memref<4x4096xf32, #tpu.memory_space<hbm>>
    tpu.enqueue_dma source(%dma_start3A_7 : memref<4x4096xf32, #tpu.memory_space<hbm>>) target(%arg6 : memref<4x4096xf32, #tpu.memory_space<vmem>>) target_semaphore(%arg12 : memref<!tpu.dma_semaphore, #tpu.memory_space<semaphore_mem>>)
    %add3A_8 = arith.constant 4 : i32
    %add3A_9 = arith.addi %mul3A_2, %add3A_8 : i32
    %dma_start3A_10 = arith.constant 0 : i32
    %dma_start3A_11 = tpu.memref_slice %arg2[%add3A_9, %dma_start3A_10] : memref<12800x4096xf32, #tpu.memory_space<hbm>> -> memref<4x4096xf32, #tpu.memory_space<hbm>>
    %dma_start3A_12 = arith.constant 0 : i32
    %dma_start3A_13 = tpu.memref_slice %arg2[%add3A_9, %dma_start3A_12] : memref<12800x4096xf32, #tpu.memory_space<hbm>> -> memref<4x4096xf32, #tpu.memory_space<hbm>>
    tpu.enqueue_dma source(%dma_start3A_13 : memref<4x4096xf32, #tpu.memory_space<hbm>>) target(%arg7 : memref<4x4096xf32, #tpu.memory_space<vmem>>) target_semaphore(%arg13 : memref<!tpu.dma_semaphore, #tpu.memory_space<semaphore_mem>>)
    %add3A_14 = arith.constant 8 : i32
    %add3A_15 = arith.addi %mul3A_2, %add3A_14 : i32
    %dma_start3A_16 = arith.constant 0 : i32
    %dma_start3A_17 = tpu.memref_slice %arg2[%add3A_15, %dma_start3A_16] : memref<12800x4096xf32, #tpu.memory_space<hbm>> -> memref<4x4096xf32, #tpu.memory_space<hbm>>
    %dma_start3A_18 = arith.constant 0 : i32
    %dma_start3A_19 = tpu.memref_slice %arg2[%add3A_15, %dma_start3A_18] : memref<12800x4096xf32, #tpu.memory_space<hbm>> -> memref<4x4096xf32, #tpu.memory_space<hbm>>
    tpu.enqueue_dma source(%dma_start3A_19 : memref<4x4096xf32, #tpu.memory_space<hbm>>) target(%arg8 : memref<4x4096xf32, #tpu.memory_space<vmem>>) target_semaphore(%arg14 : memref<!tpu.dma_semaphore, #tpu.memory_space<semaphore_mem>>)
    %scan3A = arith.constant 0 : i32
    %scan3A_20 = arith.constant 0 : i32
    %scan3A_21 = arith.constant 34 : i32
    %scan3A_22 = arith.addi %scan3A_20, %scan3A_21 : i32
    %scan3A_23 = arith.constant 1 : i32
    scf.for %scan3A_42 = %scan3A_20 to %scan3A_22 step %scan3A_23  : i32 {
      %mul3A_43 = arith.constant 3 : i32
      %mul3A_44 = arith.muli %scan3A_42, %mul3A_43 : i32
      %add3A_45 = arith.constant 0 : i32
      %add3A_46 = arith.addi %mul3A_44, %add3A_45 : i32
      %lt3A = arith.constant 100 : i32
      %lt3A_47 = arith.cmpi slt, %add3A_46, %lt3A : i32
      %convert_element_type3A = arith.extui %lt3A_47 : i1 to i32
      %cond3A = arith.constant 0 : i32
      %cond3A_48 = arith.cmpi ne, %convert_element_type3A, %cond3A : i32
      scf.if %cond3A_48 {
        %mul3A_63 = arith.constant 4 : i32
        %mul3A_64 = arith.muli %add3A_46, %mul3A_63 : i32
        %add3A_65 = arith.addi %mul3A_2, %mul3A_64 : i32
        %dma_wait3A_66 = arith.constant 0 : i32
        %dma_wait3A_67 = tpu.memref_slice %arg2[%add3A_65, %dma_wait3A_66] : memref<12800x4096xf32, #tpu.memory_space<hbm>> -> memref<4x4096xf32, #tpu.memory_space<hbm>>
        %dma_wait3A_68 = arith.constant 0 : i32
        %dma_wait3A_69 = tpu.memref_slice %arg2[%add3A_65, %dma_wait3A_68] : memref<12800x4096xf32, #tpu.memory_space<hbm>> -> memref<4x4096xf32, #tpu.memory_space<hbm>>
        tpu.wait_dma2 semaphore(%arg12 : memref<!tpu.dma_semaphore, #tpu.memory_space<semaphore_mem>>) src(%dma_wait3A_69 : memref<4x4096xf32, #tpu.memory_space<hbm>>) dst(%arg6 : memref<4x4096xf32, #tpu.memory_space<vmem>>)
        %ge3A = arith.constant 3 : i32
        %ge3A_70 = arith.cmpi sge, %add3A_46, %ge3A : i32
        %convert_element_type3A_71 = arith.extui %ge3A_70 : i1 to i32
        %cond3A_72 = arith.constant 0 : i32
        %cond3A_73 = arith.cmpi ne, %convert_element_type3A_71, %cond3A_72 : i32
        scf.if %cond3A_73 {
          %dma_wait3A_107 = arith.constant 0 : i32
          %dma_wait3A_108 = tpu.memref_slice %arg4[%add3A_65, %dma_wait3A_107] : memref<12800x4096xf32, #tpu.memory_space<hbm>> -> memref<4x4096xf32, #tpu.memory_space<hbm>>
          %dma_wait3A_109 = arith.constant 0 : i32
          %dma_wait3A_110 = tpu.memref_slice %arg4[%add3A_65, %dma_wait3A_109] : memref<12800x4096xf32, #tpu.memory_space<hbm>> -> memref<4x4096xf32, #tpu.memory_space<hbm>>
          tpu.wait_dma2 semaphore(%arg15 : memref<!tpu.dma_semaphore, #tpu.memory_space<semaphore_mem>>) src(%arg9 : memref<4x4096xf32, #tpu.memory_space<vmem>>) dst(%dma_wait3A_110 : memref<4x4096xf32, #tpu.memory_space<hbm>>)
        } else {
        }
        %mul3A_74 = arith.constant 4 : i32
        %mul3A_75 = arith.muli %add3A_46, %mul3A_74 : i32
        %get3A = arith.index_cast %mul3A_75 : i32 to index
        %get3A_76 = tpu.vector_load %arg5[%get3A] {strides = array<i32>} : memref<416xf32, #tpu.memory_space<vmem>>, vector<16xf32>,
        %get3A_77 = vector.shape_cast %get3A_76 : vector<16xf32> to vector<16xf32>
        %slice3A = vector.extract_strided_slice %get3A_77 {offsets = [0], sizes = [1], strides = [1]} : vector<16xf32> to vector<1xf32>
        %squeeze3A = vector.extract %slice3A[0] : f32 from vector<1xf32>
        %broadcast_in_dim3A = vector.broadcast %squeeze3A : f32 to vector<16xf32>
        %parallel_loop3A = arith.constant 0 : i32
        %parallel_loop3A_78 = arith.constant 256 : i32
        %parallel_loop3A_79 = arith.constant 1 : i32
        scf.for %parallel_loop3A_107 = %parallel_loop3A to %parallel_loop3A_78 step %parallel_loop3A_79  : i32 {
          %parallel_loop3A_108 = arith.constant 16 : i32
          %parallel_loop3A_109 = arith.muli %parallel_loop3A_107, %parallel_loop3A_108 : i32
          %parallel_loop3A_110 = arith.constant 0 : i32
          %parallel_loop3A_111 = arith.index_cast %parallel_loop3A_110 : i32 to index
          %parallel_loop3A_112 = arith.index_cast %parallel_loop3A_109 : i32 to index
          %parallel_loop3A_113 = tpu.vector_load %arg6[%parallel_loop3A_111, %parallel_loop3A_112] {strides = array<i32>} : memref<4x4096xf32, #tpu.memory_space<vmem>>, vector<1x16xf32>,
          %parallel_loop3A_114 = vector.shape_cast %parallel_loop3A_113 : vector<1x16xf32> to vector<16xf32>
          %parallel_loop3A_115 = arith.addf %parallel_loop3A_114, %broadcast_in_dim3A : vector<16xf32>
          %parallel_loop3A_116 = arith.constant 16 : i32
          %parallel_loop3A_117 = arith.muli %parallel_loop3A_107, %parallel_loop3A_116 : i32
          %parallel_loop3A_118 = arith.constant 0 : i32
          %parallel_loop3A_119 = arith.index_cast %parallel_loop3A_118 : i32 to index
          %parallel_loop3A_120 = arith.index_cast %parallel_loop3A_117 : i32 to index
          %parallel_loop3A_121 = tpu.vector_load %arg9[%parallel_loop3A_119, %parallel_loop3A_120] {strides = array<i32>} : memref<4x4096xf32, #tpu.memory_space<vmem>>, vector<1x16xf32>,
          %parallel_loop3A_122 = vector.shape_cast %parallel_loop3A_121 : vector<1x16xf32> to vector<16xf32>
          %parallel_loop3A_123 = vector.shape_cast %parallel_loop3A_115 : vector<16xf32> to vector<1x16xf32>
          tpu.vector_store %arg9[%parallel_loop3A_119, %parallel_loop3A_120], %parallel_loop3A_123 {strides = array<i32>} : memref<4x4096xf32, #tpu.memory_space<vmem>>, vector<1x16xf32>,
        } {sc.loop_unroll_factor = 16 : i64, sc.parallel_access}
        %slice3A_80 = vector.extract_strided_slice %get3A_77 {offsets = [1], sizes = [1], strides = [1]} : vector<16xf32> to vector<1xf32>
        %squeeze3A_81 = vector.extract %slice3A_80[0] : f32 from vector<1xf32>
        %broadcast_in_dim3A_82 = vector.broadcast %squeeze3A_81 : f32 to vector<16xf32>
        %parallel_loop3A_83 = arith.constant 0 : i32
        %parallel_loop3A_84 = arith.constant 256 : i32
        %parallel_loop3A_85 = arith.constant 1 : i32
        scf.for %parallel_loop3A_107 = %parallel_loop3A_83 to %parallel_loop3A_84 step %parallel_loop3A_85  : i32 {
          %parallel_loop3A_108 = arith.constant 16 : i32
          %parallel_loop3A_109 = arith.muli %parallel_loop3A_107, %parallel_loop3A_108 : i32
          %parallel_loop3A_110 = arith.constant 1 : i32
          %parallel_loop3A_111 = arith.index_cast %parallel_loop3A_110 : i32 to index
          %parallel_loop3A_112 = arith.index_cast %parallel_loop3A_109 : i32 to index
          %parallel_loop3A_113 = tpu.vector_load %arg6[%parallel_loop3A_111, %parallel_loop3A_112] {strides = array<i32>} : memref<4x4096xf32, #tpu.memory_space<vmem>>, vector<1x16xf32>,
          %parallel_loop3A_114 = vector.shape_cast %parallel_loop3A_113 : vector<1x16xf32> to vector<16xf32>
          %parallel_loop3A_115 = arith.addf %parallel_loop3A_114, %broadcast_in_dim3A_82 : vector<16xf32>
          %parallel_loop3A_116 = arith.constant 16 : i32
          %parallel_loop3A_117 = arith.muli %parallel_loop3A_107, %parallel_loop3A_116 : i32
          %parallel_loop3A_118 = arith.constant 1 : i32
          %parallel_loop3A_119 = arith.index_cast %parallel_loop3A_118 : i32 to index
          %parallel_loop3A_120 = arith.index_cast %parallel_loop3A_117 : i32 to index
          %parallel_loop3A_121 = tpu.vector_load %arg9[%parallel_loop3A_119, %parallel_loop3A_120] {strides = array<i32>} : memref<4x4096xf32, #tpu.memory_space<vmem>>, vector<1x16xf32>,
          %parallel_loop3A_122 = vector.shape_cast %parallel_loop3A_121 : vector<1x16xf32> to vector<16xf32>
          %parallel_loop3A_123 = vector.shape_cast %parallel_loop3A_115 : vector<16xf32> to vector<1x16xf32>
          tpu.vector_store %arg9[%parallel_loop3A_119, %parallel_loop3A_120], %parallel_loop3A_123 {strides = array<i32>} : memref<4x4096xf32, #tpu.memory_space<vmem>>, vector<1x16xf32>,
        } {sc.loop_unroll_factor = 16 : i64, sc.parallel_access}
        %slice3A_86 = vector.extract_strided_slice %get3A_77 {offsets = [2], sizes = [1], strides = [1]} : vector<16xf32> to vector<1xf32>
        %squeeze3A_87 = vector.extract %slice3A_86[0] : f32 from vector<1xf32>
        %broadcast_in_dim3A_88 = vector.broadcast %squeeze3A_87 : f32 to vector<16xf32>
        %parallel_loop3A_89 = arith.constant 0 : i32
        %parallel_loop3A_90 = arith.constant 256 : i32
        %parallel_loop3A_91 = arith.constant 1 : i32
        scf.for %parallel_loop3A_107 = %parallel_loop3A_89 to %parallel_loop3A_90 step %parallel_loop3A_91  : i32 {
          %parallel_loop3A_108 = arith.constant 16 : i32
          %parallel_loop3A_109 = arith.muli %parallel_loop3A_107, %parallel_loop3A_108 : i32
          %parallel_loop3A_110 = arith.constant 2 : i32
          %parallel_loop3A_111 = arith.index_cast %parallel_loop3A_110 : i32 to index
          %parallel_loop3A_112 = arith.index_cast %parallel_loop3A_109 : i32 to index
          %parallel_loop3A_113 = tpu.vector_load %arg6[%parallel_loop3A_111, %parallel_loop3A_112] {strides = array<i32>} : memref<4x4096xf32, #tpu.memory_space<vmem>>, vector<1x16xf32>,
          %parallel_loop3A_114 = vector.shape_cast %parallel_loop3A_113 : vector<1x16xf32> to vector<16xf32>
          %parallel_loop3A_115 = arith.addf %parallel_loop3A_114, %broadcast_in_dim3A_88 : vector<16xf32>
          %parallel_loop3A_116 = arith.constant 16 : i32
          %parallel_loop3A_117 = arith.muli %parallel_loop3A_107, %parallel_loop3A_116 : i32
          %parallel_loop3A_118 = arith.constant 2 : i32
          %parallel_loop3A_119 = arith.index_cast %parallel_loop3A_118 : i32 to index
          %parallel_loop3A_120 = arith.index_cast %parallel_loop3A_117 : i32 to index
          %parallel_loop3A_121 = tpu.vector_load %arg9[%parallel_loop3A_119, %parallel_loop3A_120] {strides = array<i32>} : memref<4x4096xf32, #tpu.memory_space<vmem>>, vector<1x16xf32>,
          %parallel_loop3A_122 = vector.shape_cast %parallel_loop3A_121 : vector<1x16xf32> to vector<16xf32>
          %parallel_loop3A_123 = vector.shape_cast %parallel_loop3A_115 : vector<16xf32> to vector<1x16xf32>
          tpu.vector_store %arg9[%parallel_loop3A_119, %parallel_loop3A_120], %parallel_loop3A_123 {strides = array<i32>} : memref<4x4096xf32, #tpu.memory_space<vmem>>, vector<1x16xf32>,
        } {sc.loop_unroll_factor = 16 : i64, sc.parallel_access}
        %slice3A_92 = vector.extract_strided_slice %get3A_77 {offsets = [3], sizes = [1], strides = [1]} : vector<16xf32> to vector<1xf32>
        %squeeze3A_93 = vector.extract %slice3A_92[0] : f32 from vector<1xf32>
        %broadcast_in_dim3A_94 = vector.broadcast %squeeze3A_93 : f32 to vector<16xf32>
        %parallel_loop3A_95 = arith.constant 0 : i32
        %parallel_loop3A_96 = arith.constant 256 : i32
        %parallel_loop3A_97 = arith.constant 1 : i32
        scf.for %parallel_loop3A_107 = %parallel_loop3A_95 to %parallel_loop3A_96 step %parallel_loop3A_97  : i32 {
          %parallel_loop3A_108 = arith.constant 16 : i32
          %parallel_loop3A_109 = arith.muli %parallel_loop3A_107, %parallel_loop3A_108 : i32
          %parallel_loop3A_110 = arith.constant 3 : i32
          %parallel_loop3A_111 = arith.index_cast %parallel_loop3A_110 : i32 to index
          %parallel_loop3A_112 = arith.index_cast %parallel_loop3A_109 : i32 to index
          %parallel_loop3A_113 = tpu.vector_load %arg6[%parallel_loop3A_111, %parallel_loop3A_112] {strides = array<i32>} : memref<4x4096xf32, #tpu.memory_space<vmem>>, vector<1x16xf32>,
          %parallel_loop3A_114 = vector.shape_cast %parallel_loop3A_113 : vector<1x16xf32> to vector<16xf32>
          %parallel_loop3A_115 = arith.addf %parallel_loop3A_114, %broadcast_in_dim3A_94 : vector<16xf32>
          %parallel_loop3A_116 = arith.constant 16 : i32
          %parallel_loop3A_117 = arith.muli %parallel_loop3A_107, %parallel_loop3A_116 : i32
          %parallel_loop3A_118 = arith.constant 3 : i32
          %parallel_loop3A_119 = arith.index_cast %parallel_loop3A_118 : i32 to index
          %parallel_loop3A_120 = arith.index_cast %parallel_loop3A_117 : i32 to index
          %parallel_loop3A_121 = tpu.vector_load %arg9[%parallel_loop3A_119, %parallel_loop3A_120] {strides = array<i32>} : memref<4x4096xf32, #tpu.memory_space<vmem>>, vector<1x16xf32>,
          %parallel_loop3A_122 = vector.shape_cast %parallel_loop3A_121 : vector<1x16xf32> to vector<16xf32>
          %parallel_loop3A_123 = vector.shape_cast %parallel_loop3A_115 : vector<16xf32> to vector<1x16xf32>
          tpu.vector_store %arg9[%parallel_loop3A_119, %parallel_loop3A_120], %parallel_loop3A_123 {strides = array<i32>} : memref<4x4096xf32, #tpu.memory_space<vmem>>, vector<1x16xf32>,
        } {sc.loop_unroll_factor = 16 : i64, sc.parallel_access}
        %lt3A_98 = arith.constant 97 : i32
        %lt3A_99 = arith.cmpi slt, %add3A_46, %lt3A_98 : i32
        %convert_element_type3A_100 = arith.extui %lt3A_99 : i1 to i32
        %cond3A_101 = arith.constant 0 : i32
        %cond3A_102 = arith.cmpi ne, %convert_element_type3A_100, %cond3A_101 : i32
        scf.if %cond3A_102 {
          %add3A_107 = arith.constant 12 : i32
          %add3A_108 = arith.addi %add3A_65, %add3A_107 : i32
          %dma_start3A_109 = arith.constant 0 : i32
          %dma_start3A_110 = tpu.memref_slice %arg2[%add3A_108, %dma_start3A_109] : memref<12800x4096xf32, #tpu.memory_space<hbm>> -> memref<4x4096xf32, #tpu.memory_space<hbm>>
          %dma_start3A_111 = arith.constant 0 : i32
          %dma_start3A_112 = tpu.memref_slice %arg2[%add3A_108, %dma_start3A_111] : memref<12800x4096xf32, #tpu.memory_space<hbm>> -> memref<4x4096xf32, #tpu.memory_space<hbm>>
          tpu.enqueue_dma source(%dma_start3A_112 : memref<4x4096xf32, #tpu.memory_space<hbm>>) target(%arg6 : memref<4x4096xf32, #tpu.memory_space<vmem>>) target_semaphore(%arg12 : memref<!tpu.dma_semaphore, #tpu.memory_space<semaphore_mem>>)
        } else {
        }
        %dma_start3A_103 = arith.constant 0 : i32
        %dma_start3A_104 = tpu.memref_slice %arg4[%add3A_65, %dma_start3A_103] : memref<12800x4096xf32, #tpu.memory_space<hbm>> -> memref<4x4096xf32, #tpu.memory_space<hbm>>
        %dma_start3A_105 = arith.constant 0 : i32
        %dma_start3A_106 = tpu.memref_slice %arg4[%add3A_65, %dma_start3A_105] : memref<12800x4096xf32, #tpu.memory_space<hbm>> -> memref<4x4096xf32, #tpu.memory_space<hbm>>
        tpu.enqueue_dma source(%arg9 : memref<4x4096xf32, #tpu.memory_space<vmem>>) target(%dma_start3A_106 : memref<4x4096xf32, #tpu.memory_space<hbm>>) target_semaphore(%arg15 : memref<!tpu.dma_semaphore, #tpu.memory_space<semaphore_mem>>)
      } else {
      }
      %add3A_49 = arith.constant 1 : i32
      %add3A_50 = arith.addi %mul3A_44, %add3A_49 : i32
      %lt3A_51 = arith.constant 100 : i32
      %lt3A_52 = arith.cmpi slt, %add3A_50, %lt3A_51 : i32
      %convert_element_type3A_53 = arith.extui %lt3A_52 : i1 to i32
      %cond3A_54 = arith.constant 0 : i32
      %cond3A_55 = arith.cmpi ne, %convert_element_type3A_53, %cond3A_54 : i32
      scf.if %cond3A_55 {
        %mul3A_63 = arith.constant 4 : i32
        %mul3A_64 = arith.muli %add3A_50, %mul3A_63 : i32
        %add3A_65 = arith.addi %mul3A_2, %mul3A_64 : i32
        %dma_wait3A_66 = arith.constant 0 : i32
        %dma_wait3A_67 = tpu.memref_slice %arg2[%add3A_65, %dma_wait3A_66] : memref<12800x4096xf32, #tpu.memory_space<hbm>> -> memref<4x4096xf32, #tpu.memory_space<hbm>>
        %dma_wait3A_68 = arith.constant 0 : i32
        %dma_wait3A_69 = tpu.memref_slice %arg2[%add3A_65, %dma_wait3A_68] : memref<12800x4096xf32, #tpu.memory_space<hbm>> -> memref<4x4096xf32, #tpu.memory_space<hbm>>
        tpu.wait_dma2 semaphore(%arg13 : memref<!tpu.dma_semaphore, #tpu.memory_space<semaphore_mem>>) src(%dma_wait3A_69 : memref<4x4096xf32, #tpu.memory_space<hbm>>) dst(%arg7 : memref<4x4096xf32, #tpu.memory_space<vmem>>)
        %ge3A = arith.constant 3 : i32
        %ge3A_70 = arith.cmpi sge, %add3A_50, %ge3A : i32
        %convert_element_type3A_71 = arith.extui %ge3A_70 : i1 to i32
        %cond3A_72 = arith.constant 0 : i32
        %cond3A_73 = arith.cmpi ne, %convert_element_type3A_71, %cond3A_72 : i32
        scf.if %cond3A_73 {
          %dma_wait3A_107 = arith.constant 0 : i32
          %dma_wait3A_108 = tpu.memref_slice %arg4[%add3A_65, %dma_wait3A_107] : memref<12800x4096xf32, #tpu.memory_space<hbm>> -> memref<4x4096xf32, #tpu.memory_space<hbm>>
          %dma_wait3A_109 = arith.constant 0 : i32
          %dma_wait3A_110 = tpu.memref_slice %arg4[%add3A_65, %dma_wait3A_109] : memref<12800x4096xf32, #tpu.memory_space<hbm>> -> memref<4x4096xf32, #tpu.memory_space<hbm>>
          tpu.wait_dma2 semaphore(%arg16 : memref<!tpu.dma_semaphore, #tpu.memory_space<semaphore_mem>>) src(%arg10 : memref<4x4096xf32, #tpu.memory_space<vmem>>) dst(%dma_wait3A_110 : memref<4x4096xf32, #tpu.memory_space<hbm>>)
        } else {
        }
        %mul3A_74 = arith.constant 4 : i32
        %mul3A_75 = arith.muli %add3A_50, %mul3A_74 : i32
        %get3A = arith.index_cast %mul3A_75 : i32 to index
        %get3A_76 = tpu.vector_load %arg5[%get3A] {strides = array<i32>} : memref<416xf32, #tpu.memory_space<vmem>>, vector<16xf32>,
        %get3A_77 = vector.shape_cast %get3A_76 : vector<16xf32> to vector<16xf32>
        %slice3A = vector.extract_strided_slice %get3A_77 {offsets = [0], sizes = [1], strides = [1]} : vector<16xf32> to vector<1xf32>
        %squeeze3A = vector.extract %slice3A[0] : f32 from vector<1xf32>
        %broadcast_in_dim3A = vector.broadcast %squeeze3A : f32 to vector<16xf32>
        %parallel_loop3A = arith.constant 0 : i32
        %parallel_loop3A_78 = arith.constant 256 : i32
        %parallel_loop3A_79 = arith.constant 1 : i32
        scf.for %parallel_loop3A_107 = %parallel_loop3A to %parallel_loop3A_78 step %parallel_loop3A_79  : i32 {
          %parallel_loop3A_108 = arith.constant 16 : i32
          %parallel_loop3A_109 = arith.muli %parallel_loop3A_107, %parallel_loop3A_108 : i32
          %parallel_loop3A_110 = arith.constant 0 : i32
          %parallel_loop3A_111 = arith.index_cast %parallel_loop3A_110 : i32 to index
          %parallel_loop3A_112 = arith.index_cast %parallel_loop3A_109 : i32 to index
          %parallel_loop3A_113 = tpu.vector_load %arg7[%parallel_loop3A_111, %parallel_loop3A_112] {strides = array<i32>} : memref<4x4096xf32, #tpu.memory_space<vmem>>, vector<1x16xf32>,
          %parallel_loop3A_114 = vector.shape_cast %parallel_loop3A_113 : vector<1x16xf32> to vector<16xf32>
          %parallel_loop3A_115 = arith.addf %parallel_loop3A_114, %broadcast_in_dim3A : vector<16xf32>
          %parallel_loop3A_116 = arith.constant 16 : i32
          %parallel_loop3A_117 = arith.muli %parallel_loop3A_107, %parallel_loop3A_116 : i32
          %parallel_loop3A_118 = arith.constant 0 : i32
          %parallel_loop3A_119 = arith.index_cast %parallel_loop3A_118 : i32 to index
          %parallel_loop3A_120 = arith.index_cast %parallel_loop3A_117 : i32 to index
          %parallel_loop3A_121 = tpu.vector_load %arg10[%parallel_loop3A_119, %parallel_loop3A_120] {strides = array<i32>} : memref<4x4096xf32, #tpu.memory_space<vmem>>, vector<1x16xf32>,
          %parallel_loop3A_122 = vector.shape_cast %parallel_loop3A_121 : vector<1x16xf32> to vector<16xf32>
          %parallel_loop3A_123 = vector.shape_cast %parallel_loop3A_115 : vector<16xf32> to vector<1x16xf32>
          tpu.vector_store %arg10[%parallel_loop3A_119, %parallel_loop3A_120], %parallel_loop3A_123 {strides = array<i32>} : memref<4x4096xf32, #tpu.memory_space<vmem>>, vector<1x16xf32>,
        } {sc.loop_unroll_factor = 16 : i64, sc.parallel_access}
        %slice3A_80 = vector.extract_strided_slice %get3A_77 {offsets = [1], sizes = [1], strides = [1]} : vector<16xf32> to vector<1xf32>
        %squeeze3A_81 = vector.extract %slice3A_80[0] : f32 from vector<1xf32>
        %broadcast_in_dim3A_82 = vector.broadcast %squeeze3A_81 : f32 to vector<16xf32>
        %parallel_loop3A_83 = arith.constant 0 : i32
        %parallel_loop3A_84 = arith.constant 256 : i32
        %parallel_loop3A_85 = arith.constant 1 : i32
        scf.for %parallel_loop3A_107 = %parallel_loop3A_83 to %parallel_loop3A_84 step %parallel_loop3A_85  : i32 {
          %parallel_loop3A_108 = arith.constant 16 : i32
          %parallel_loop3A_109 = arith.muli %parallel_loop3A_107, %parallel_loop3A_108 : i32
          %parallel_loop3A_110 = arith.constant 1 : i32
          %parallel_loop3A_111 = arith.index_cast %parallel_loop3A_110 : i32 to index
          %parallel_loop3A_112 = arith.index_cast %parallel_loop3A_109 : i32 to index
          %parallel_loop3A_113 = tpu.vector_load %arg7[%parallel_loop3A_111, %parallel_loop3A_112] {strides = array<i32>} : memref<4x4096xf32, #tpu.memory_space<vmem>>, vector<1x16xf32>,
          %parallel_loop3A_114 = vector.shape_cast %parallel_loop3A_113 : vector<1x16xf32> to vector<16xf32>
          %parallel_loop3A_115 = arith.addf %parallel_loop3A_114, %broadcast_in_dim3A_82 : vector<16xf32>
          %parallel_loop3A_116 = arith.constant 16 : i32
          %parallel_loop3A_117 = arith.muli %parallel_loop3A_107, %parallel_loop3A_116 : i32
          %parallel_loop3A_118 = arith.constant 1 : i32
          %parallel_loop3A_119 = arith.index_cast %parallel_loop3A_118 : i32 to index
          %parallel_loop3A_120 = arith.index_cast %parallel_loop3A_117 : i32 to index
          %parallel_loop3A_121 = tpu.vector_load %arg10[%parallel_loop3A_119, %parallel_loop3A_120] {strides = array<i32>} : memref<4x4096xf32, #tpu.memory_space<vmem>>, vector<1x16xf32>,
          %parallel_loop3A_122 = vector.shape_cast %parallel_loop3A_121 : vector<1x16xf32> to vector<16xf32>
          %parallel_loop3A_123 = vector.shape_cast %parallel_loop3A_115 : vector<16xf32> to vector<1x16xf32>
          tpu.vector_store %arg10[%parallel_loop3A_119, %parallel_loop3A_120], %parallel_loop3A_123 {strides = array<i32>} : memref<4x4096xf32, #tpu.memory_space<vmem>>, vector<1x16xf32>,
        } {sc.loop_unroll_factor = 16 : i64, sc.parallel_access}
        %slice3A_86 = vector.extract_strided_slice %get3A_77 {offsets = [2], sizes = [1], strides = [1]} : vector<16xf32> to vector<1xf32>
        %squeeze3A_87 = vector.extract %slice3A_86[0] : f32 from vector<1xf32>
        %broadcast_in_dim3A_88 = vector.broadcast %squeeze3A_87 : f32 to vector<16xf32>
        %parallel_loop3A_89 = arith.constant 0 : i32
        %parallel_loop3A_90 = arith.constant 256 : i32
        %parallel_loop3A_91 = arith.constant 1 : i32
        scf.for %parallel_loop3A_107 = %parallel_loop3A_89 to %parallel_loop3A_90 step %parallel_loop3A_91  : i32 {
          %parallel_loop3A_108 = arith.constant 16 : i32
          %parallel_loop3A_109 = arith.muli %parallel_loop3A_107, %parallel_loop3A_108 : i32
          %parallel_loop3A_110 = arith.constant 2 : i32
          %parallel_loop3A_111 = arith.index_cast %parallel_loop3A_110 : i32 to index
          %parallel_loop3A_112 = arith.index_cast %parallel_loop3A_109 : i32 to index
          %parallel_loop3A_113 = tpu.vector_load %arg7[%parallel_loop3A_111, %parallel_loop3A_112] {strides = array<i32>} : memref<4x4096xf32, #tpu.memory_space<vmem>>, vector<1x16xf32>,
          %parallel_loop3A_114 = vector.shape_cast %parallel_loop3A_113 : vector<1x16xf32> to vector<16xf32>
          %parallel_loop3A_115 = arith.addf %parallel_loop3A_114, %broadcast_in_dim3A_88 : vector<16xf32>
          %parallel_loop3A_116 = arith.constant 16 : i32
          %parallel_loop3A_117 = arith.muli %parallel_loop3A_107, %parallel_loop3A_116 : i32
          %parallel_loop3A_118 = arith.constant 2 : i32
          %parallel_loop3A_119 = arith.index_cast %parallel_loop3A_118 : i32 to index
          %parallel_loop3A_120 = arith.index_cast %parallel_loop3A_117 : i32 to index
          %parallel_loop3A_121 = tpu.vector_load %arg10[%parallel_loop3A_119, %parallel_loop3A_120] {strides = array<i32>} : memref<4x4096xf32, #tpu.memory_space<vmem>>, vector<1x16xf32>,
          %parallel_loop3A_122 = vector.shape_cast %parallel_loop3A_121 : vector<1x16xf32> to vector<16xf32>
          %parallel_loop3A_123 = vector.shape_cast %parallel_loop3A_115 : vector<16xf32> to vector<1x16xf32>
          tpu.vector_store %arg10[%parallel_loop3A_119, %parallel_loop3A_120], %parallel_loop3A_123 {strides = array<i32>} : memref<4x4096xf32, #tpu.memory_space<vmem>>, vector<1x16xf32>,
        } {sc.loop_unroll_factor = 16 : i64, sc.parallel_access}
        %slice3A_92 = vector.extract_strided_slice %get3A_77 {offsets = [3], sizes = [1], strides = [1]} : vector<16xf32> to vector<1xf32>
        %squeeze3A_93 = vector.extract %slice3A_92[0] : f32 from vector<1xf32>
        %broadcast_in_dim3A_94 = vector.broadcast %squeeze3A_93 : f32 to vector<16xf32>
        %parallel_loop3A_95 = arith.constant 0 : i32
        %parallel_loop3A_96 = arith.constant 256 : i32
        %parallel_loop3A_97 = arith.constant 1 : i32
        scf.for %parallel_loop3A_107 = %parallel_loop3A_95 to %parallel_loop3A_96 step %parallel_loop3A_97  : i32 {
          %parallel_loop3A_108 = arith.constant 16 : i32
          %parallel_loop3A_109 = arith.muli %parallel_loop3A_107, %parallel_loop3A_108 : i32
          %parallel_loop3A_110 = arith.constant 3 : i32
          %parallel_loop3A_111 = arith.index_cast %parallel_loop3A_110 : i32 to index
          %parallel_loop3A_112 = arith.index_cast %parallel_loop3A_109 : i32 to index
          %parallel_loop3A_113 = tpu.vector_load %arg7[%parallel_loop3A_111, %parallel_loop3A_112] {strides = array<i32>} : memref<4x4096xf32, #tpu.memory_space<vmem>>, vector<1x16xf32>,
          %parallel_loop3A_114 = vector.shape_cast %parallel_loop3A_113 : vector<1x16xf32> to vector<16xf32>
          %parallel_loop3A_115 = arith.addf %parallel_loop3A_114, %broadcast_in_dim3A_94 : vector<16xf32>
          %parallel_loop3A_116 = arith.constant 16 : i32
          %parallel_loop3A_117 = arith.muli %parallel_loop3A_107, %parallel_loop3A_116 : i32
          %parallel_loop3A_118 = arith.constant 3 : i32
          %parallel_loop3A_119 = arith.index_cast %parallel_loop3A_118 : i32 to index
          %parallel_loop3A_120 = arith.index_cast %parallel_loop3A_117 : i32 to index
          %parallel_loop3A_121 = tpu.vector_load %arg10[%parallel_loop3A_119, %parallel_loop3A_120] {strides = array<i32>} : memref<4x4096xf32, #tpu.memory_space<vmem>>, vector<1x16xf32>,
          %parallel_loop3A_122 = vector.shape_cast %parallel_loop3A_121 : vector<1x16xf32> to vector<16xf32>
          %parallel_loop3A_123 = vector.shape_cast %parallel_loop3A_115 : vector<16xf32> to vector<1x16xf32>
          tpu.vector_store %arg10[%parallel_loop3A_119, %parallel_loop3A_120], %parallel_loop3A_123 {strides = array<i32>} : memref<4x4096xf32, #tpu.memory_space<vmem>>, vector<1x16xf32>,
        } {sc.loop_unroll_factor = 16 : i64, sc.parallel_access}
        %lt3A_98 = arith.constant 97 : i32
        %lt3A_99 = arith.cmpi slt, %add3A_50, %lt3A_98 : i32
        %convert_element_type3A_100 = arith.extui %lt3A_99 : i1 to i32
        %cond3A_101 = arith.constant 0 : i32
        %cond3A_102 = arith.cmpi ne, %convert_element_type3A_100, %cond3A_101 : i32
        scf.if %cond3A_102 {
          %add3A_107 = arith.constant 12 : i32
          %add3A_108 = arith.addi %add3A_65, %add3A_107 : i32
          %dma_start3A_109 = arith.constant 0 : i32
          %dma_start3A_110 = tpu.memref_slice %arg2[%add3A_108, %dma_start3A_109] : memref<12800x4096xf32, #tpu.memory_space<hbm>> -> memref<4x4096xf32, #tpu.memory_space<hbm>>
          %dma_start3A_111 = arith.constant 0 : i32
          %dma_start3A_112 = tpu.memref_slice %arg2[%add3A_108, %dma_start3A_111] : memref<12800x4096xf32, #tpu.memory_space<hbm>> -> memref<4x4096xf32, #tpu.memory_space<hbm>>
          tpu.enqueue_dma source(%dma_start3A_112 : memref<4x4096xf32, #tpu.memory_space<hbm>>) target(%arg7 : memref<4x4096xf32, #tpu.memory_space<vmem>>) target_semaphore(%arg13 : memref<!tpu.dma_semaphore, #tpu.memory_space<semaphore_mem>>)
        } else {
        }
        %dma_start3A_103 = arith.constant 0 : i32
        %dma_start3A_104 = tpu.memref_slice %arg4[%add3A_65, %dma_start3A_103] : memref<12800x4096xf32, #tpu.memory_space<hbm>> -> memref<4x4096xf32, #tpu.memory_space<hbm>>
        %dma_start3A_105 = arith.constant 0 : i32
        %dma_start3A_106 = tpu.memref_slice %arg4[%add3A_65, %dma_start3A_105] : memref<12800x4096xf32, #tpu.memory_space<hbm>> -> memref<4x4096xf32, #tpu.memory_space<hbm>>
        tpu.enqueue_dma source(%arg10 : memref<4x4096xf32, #tpu.memory_space<vmem>>) target(%dma_start3A_106 : memref<4x4096xf32, #tpu.memory_space<hbm>>) target_semaphore(%arg16 : memref<!tpu.dma_semaphore, #tpu.memory_space<semaphore_mem>>)
      } else {
      }
      %add3A_56 = arith.constant 2 : i32
      %add3A_57 = arith.addi %mul3A_44, %add3A_56 : i32
      %lt3A_58 = arith.constant 100 : i32
      %lt3A_59 = arith.cmpi slt, %add3A_57, %lt3A_58 : i32
      %convert_element_type3A_60 = arith.extui %lt3A_59 : i1 to i32
      %cond3A_61 = arith.constant 0 : i32
      %cond3A_62 = arith.cmpi ne, %convert_element_type3A_60, %cond3A_61 : i32
      scf.if %cond3A_62 {
        %mul3A_63 = arith.constant 4 : i32
        %mul3A_64 = arith.muli %add3A_57, %mul3A_63 : i32
        %add3A_65 = arith.addi %mul3A_2, %mul3A_64 : i32
        %dma_wait3A_66 = arith.constant 0 : i32
        %dma_wait3A_67 = tpu.memref_slice %arg2[%add3A_65, %dma_wait3A_66] : memref<12800x4096xf32, #tpu.memory_space<hbm>> -> memref<4x4096xf32, #tpu.memory_space<hbm>>
        %dma_wait3A_68 = arith.constant 0 : i32
        %dma_wait3A_69 = tpu.memref_slice %arg2[%add3A_65, %dma_wait3A_68] : memref<12800x4096xf32, #tpu.memory_space<hbm>> -> memref<4x4096xf32, #tpu.memory_space<hbm>>
        tpu.wait_dma2 semaphore(%arg14 : memref<!tpu.dma_semaphore, #tpu.memory_space<semaphore_mem>>) src(%dma_wait3A_69 : memref<4x4096xf32, #tpu.memory_space<hbm>>) dst(%arg8 : memref<4x4096xf32, #tpu.memory_space<vmem>>)
        %ge3A = arith.constant 3 : i32
        %ge3A_70 = arith.cmpi sge, %add3A_57, %ge3A : i32
        %convert_element_type3A_71 = arith.extui %ge3A_70 : i1 to i32
        %cond3A_72 = arith.constant 0 : i32
        %cond3A_73 = arith.cmpi ne, %convert_element_type3A_71, %cond3A_72 : i32
        scf.if %cond3A_73 {
          %dma_wait3A_107 = arith.constant 0 : i32
          %dma_wait3A_108 = tpu.memref_slice %arg4[%add3A_65, %dma_wait3A_107] : memref<12800x4096xf32, #tpu.memory_space<hbm>> -> memref<4x4096xf32, #tpu.memory_space<hbm>>
          %dma_wait3A_109 = arith.constant 0 : i32
          %dma_wait3A_110 = tpu.memref_slice %arg4[%add3A_65, %dma_wait3A_109] : memref<12800x4096xf32, #tpu.memory_space<hbm>> -> memref<4x4096xf32, #tpu.memory_space<hbm>>
          tpu.wait_dma2 semaphore(%arg17 : memref<!tpu.dma_semaphore, #tpu.memory_space<semaphore_mem>>) src(%arg11 : memref<4x4096xf32, #tpu.memory_space<vmem>>) dst(%dma_wait3A_110 : memref<4x4096xf32, #tpu.memory_space<hbm>>)
        } else {
        }
        %mul3A_74 = arith.constant 4 : i32
        %mul3A_75 = arith.muli %add3A_57, %mul3A_74 : i32
        %get3A = arith.index_cast %mul3A_75 : i32 to index
        %get3A_76 = tpu.vector_load %arg5[%get3A] {strides = array<i32>} : memref<416xf32, #tpu.memory_space<vmem>>, vector<16xf32>,
        %get3A_77 = vector.shape_cast %get3A_76 : vector<16xf32> to vector<16xf32>
        %slice3A = vector.extract_strided_slice %get3A_77 {offsets = [0], sizes = [1], strides = [1]} : vector<16xf32> to vector<1xf32>
        %squeeze3A = vector.extract %slice3A[0] : f32 from vector<1xf32>
        %broadcast_in_dim3A = vector.broadcast %squeeze3A : f32 to vector<16xf32>
        %parallel_loop3A = arith.constant 0 : i32
        %parallel_loop3A_78 = arith.constant 256 : i32
        %parallel_loop3A_79 = arith.constant 1 : i32
        scf.for %parallel_loop3A_107 = %parallel_loop3A to %parallel_loop3A_78 step %parallel_loop3A_79  : i32 {
          %parallel_loop3A_108 = arith.constant 16 : i32
          %parallel_loop3A_109 = arith.muli %parallel_loop3A_107, %parallel_loop3A_108 : i32
          %parallel_loop3A_110 = arith.constant 0 : i32
          %parallel_loop3A_111 = arith.index_cast %parallel_loop3A_110 : i32 to index
          %parallel_loop3A_112 = arith.index_cast %parallel_loop3A_109 : i32 to index
          %parallel_loop3A_113 = tpu.vector_load %arg8[%parallel_loop3A_111, %parallel_loop3A_112] {strides = array<i32>} : memref<4x4096xf32, #tpu.memory_space<vmem>>, vector<1x16xf32>,
          %parallel_loop3A_114 = vector.shape_cast %parallel_loop3A_113 : vector<1x16xf32> to vector<16xf32>
          %parallel_loop3A_115 = arith.addf %parallel_loop3A_114, %broadcast_in_dim3A : vector<16xf32>
          %parallel_loop3A_116 = arith.constant 16 : i32
          %parallel_loop3A_117 = arith.muli %parallel_loop3A_107, %parallel_loop3A_116 : i32
          %parallel_loop3A_118 = arith.constant 0 : i32
          %parallel_loop3A_119 = arith.index_cast %parallel_loop3A_118 : i32 to index
          %parallel_loop3A_120 = arith.index_cast %parallel_loop3A_117 : i32 to index
          %parallel_loop3A_121 = tpu.vector_load %arg11[%parallel_loop3A_119, %parallel_loop3A_120] {strides = array<i32>} : memref<4x4096xf32, #tpu.memory_space<vmem>>, vector<1x16xf32>,
          %parallel_loop3A_122 = vector.shape_cast %parallel_loop3A_121 : vector<1x16xf32> to vector<16xf32>
          %parallel_loop3A_123 = vector.shape_cast %parallel_loop3A_115 : vector<16xf32> to vector<1x16xf32>
          tpu.vector_store %arg11[%parallel_loop3A_119, %parallel_loop3A_120], %parallel_loop3A_123 {strides = array<i32>} : memref<4x4096xf32, #tpu.memory_space<vmem>>, vector<1x16xf32>,
        } {sc.loop_unroll_factor = 16 : i64, sc.parallel_access}
        %slice3A_80 = vector.extract_strided_slice %get3A_77 {offsets = [1], sizes = [1], strides = [1]} : vector<16xf32> to vector<1xf32>
        %squeeze3A_81 = vector.extract %slice3A_80[0] : f32 from vector<1xf32>
        %broadcast_in_dim3A_82 = vector.broadcast %squeeze3A_81 : f32 to vector<16xf32>
        %parallel_loop3A_83 = arith.constant 0 : i32
        %parallel_loop3A_84 = arith.constant 256 : i32
        %parallel_loop3A_85 = arith.constant 1 : i32
        scf.for %parallel_loop3A_107 = %parallel_loop3A_83 to %parallel_loop3A_84 step %parallel_loop3A_85  : i32 {
          %parallel_loop3A_108 = arith.constant 16 : i32
          %parallel_loop3A_109 = arith.muli %parallel_loop3A_107, %parallel_loop3A_108 : i32
          %parallel_loop3A_110 = arith.constant 1 : i32
          %parallel_loop3A_111 = arith.index_cast %parallel_loop3A_110 : i32 to index
          %parallel_loop3A_112 = arith.index_cast %parallel_loop3A_109 : i32 to index
          %parallel_loop3A_113 = tpu.vector_load %arg8[%parallel_loop3A_111, %parallel_loop3A_112] {strides = array<i32>} : memref<4x4096xf32, #tpu.memory_space<vmem>>, vector<1x16xf32>,
          %parallel_loop3A_114 = vector.shape_cast %parallel_loop3A_113 : vector<1x16xf32> to vector<16xf32>
          %parallel_loop3A_115 = arith.addf %parallel_loop3A_114, %broadcast_in_dim3A_82 : vector<16xf32>
          %parallel_loop3A_116 = arith.constant 16 : i32
          %parallel_loop3A_117 = arith.muli %parallel_loop3A_107, %parallel_loop3A_116 : i32
          %parallel_loop3A_118 = arith.constant 1 : i32
          %parallel_loop3A_119 = arith.index_cast %parallel_loop3A_118 : i32 to index
          %parallel_loop3A_120 = arith.index_cast %parallel_loop3A_117 : i32 to index
          %parallel_loop3A_121 = tpu.vector_load %arg11[%parallel_loop3A_119, %parallel_loop3A_120] {strides = array<i32>} : memref<4x4096xf32, #tpu.memory_space<vmem>>, vector<1x16xf32>,
          %parallel_loop3A_122 = vector.shape_cast %parallel_loop3A_121 : vector<1x16xf32> to vector<16xf32>
          %parallel_loop3A_123 = vector.shape_cast %parallel_loop3A_115 : vector<16xf32> to vector<1x16xf32>
          tpu.vector_store %arg11[%parallel_loop3A_119, %parallel_loop3A_120], %parallel_loop3A_123 {strides = array<i32>} : memref<4x4096xf32, #tpu.memory_space<vmem>>, vector<1x16xf32>,
        } {sc.loop_unroll_factor = 16 : i64, sc.parallel_access}
        %slice3A_86 = vector.extract_strided_slice %get3A_77 {offsets = [2], sizes = [1], strides = [1]} : vector<16xf32> to vector<1xf32>
        %squeeze3A_87 = vector.extract %slice3A_86[0] : f32 from vector<1xf32>
        %broadcast_in_dim3A_88 = vector.broadcast %squeeze3A_87 : f32 to vector<16xf32>
        %parallel_loop3A_89 = arith.constant 0 : i32
        %parallel_loop3A_90 = arith.constant 256 : i32
        %parallel_loop3A_91 = arith.constant 1 : i32
        scf.for %parallel_loop3A_107 = %parallel_loop3A_89 to %parallel_loop3A_90 step %parallel_loop3A_91  : i32 {
          %parallel_loop3A_108 = arith.constant 16 : i32
          %parallel_loop3A_109 = arith.muli %parallel_loop3A_107, %parallel_loop3A_108 : i32
          %parallel_loop3A_110 = arith.constant 2 : i32
          %parallel_loop3A_111 = arith.index_cast %parallel_loop3A_110 : i32 to index
          %parallel_loop3A_112 = arith.index_cast %parallel_loop3A_109 : i32 to index
          %parallel_loop3A_113 = tpu.vector_load %arg8[%parallel_loop3A_111, %parallel_loop3A_112] {strides = array<i32>} : memref<4x4096xf32, #tpu.memory_space<vmem>>, vector<1x16xf32>,
          %parallel_loop3A_114 = vector.shape_cast %parallel_loop3A_113 : vector<1x16xf32> to vector<16xf32>
          %parallel_loop3A_115 = arith.addf %parallel_loop3A_114, %broadcast_in_dim3A_88 : vector<16xf32>
          %parallel_loop3A_116 = arith.constant 16 : i32
          %parallel_loop3A_117 = arith.muli %parallel_loop3A_107, %parallel_loop3A_116 : i32
          %parallel_loop3A_118 = arith.constant 2 : i32
          %parallel_loop3A_119 = arith.index_cast %parallel_loop3A_118 : i32 to index
          %parallel_loop3A_120 = arith.index_cast %parallel_loop3A_117 : i32 to index
          %parallel_loop3A_121 = tpu.vector_load %arg11[%parallel_loop3A_119, %parallel_loop3A_120] {strides = array<i32>} : memref<4x4096xf32, #tpu.memory_space<vmem>>, vector<1x16xf32>,
          %parallel_loop3A_122 = vector.shape_cast %parallel_loop3A_121 : vector<1x16xf32> to vector<16xf32>
          %parallel_loop3A_123 = vector.shape_cast %parallel_loop3A_115 : vector<16xf32> to vector<1x16xf32>
          tpu.vector_store %arg11[%parallel_loop3A_119, %parallel_loop3A_120], %parallel_loop3A_123 {strides = array<i32>} : memref<4x4096xf32, #tpu.memory_space<vmem>>, vector<1x16xf32>,
        } {sc.loop_unroll_factor = 16 : i64, sc.parallel_access}
        %slice3A_92 = vector.extract_strided_slice %get3A_77 {offsets = [3], sizes = [1], strides = [1]} : vector<16xf32> to vector<1xf32>
        %squeeze3A_93 = vector.extract %slice3A_92[0] : f32 from vector<1xf32>
        %broadcast_in_dim3A_94 = vector.broadcast %squeeze3A_93 : f32 to vector<16xf32>
        %parallel_loop3A_95 = arith.constant 0 : i32
        %parallel_loop3A_96 = arith.constant 256 : i32
        %parallel_loop3A_97 = arith.constant 1 : i32
        scf.for %parallel_loop3A_107 = %parallel_loop3A_95 to %parallel_loop3A_96 step %parallel_loop3A_97  : i32 {
          %parallel_loop3A_108 = arith.constant 16 : i32
          %parallel_loop3A_109 = arith.muli %parallel_loop3A_107, %parallel_loop3A_108 : i32
          %parallel_loop3A_110 = arith.constant 3 : i32
          %parallel_loop3A_111 = arith.index_cast %parallel_loop3A_110 : i32 to index
          %parallel_loop3A_112 = arith.index_cast %parallel_loop3A_109 : i32 to index
          %parallel_loop3A_113 = tpu.vector_load %arg8[%parallel_loop3A_111, %parallel_loop3A_112] {strides = array<i32>} : memref<4x4096xf32, #tpu.memory_space<vmem>>, vector<1x16xf32>,
          %parallel_loop3A_114 = vector.shape_cast %parallel_loop3A_113 : vector<1x16xf32> to vector<16xf32>
          %parallel_loop3A_115 = arith.addf %parallel_loop3A_114, %broadcast_in_dim3A_94 : vector<16xf32>
          %parallel_loop3A_116 = arith.constant 16 : i32
          %parallel_loop3A_117 = arith.muli %parallel_loop3A_107, %parallel_loop3A_116 : i32
          %parallel_loop3A_118 = arith.constant 3 : i32
          %parallel_loop3A_119 = arith.index_cast %parallel_loop3A_118 : i32 to index
          %parallel_loop3A_120 = arith.index_cast %parallel_loop3A_117 : i32 to index
          %parallel_loop3A_121 = tpu.vector_load %arg11[%parallel_loop3A_119, %parallel_loop3A_120] {strides = array<i32>} : memref<4x4096xf32, #tpu.memory_space<vmem>>, vector<1x16xf32>,
          %parallel_loop3A_122 = vector.shape_cast %parallel_loop3A_121 : vector<1x16xf32> to vector<16xf32>
          %parallel_loop3A_123 = vector.shape_cast %parallel_loop3A_115 : vector<16xf32> to vector<1x16xf32>
          tpu.vector_store %arg11[%parallel_loop3A_119, %parallel_loop3A_120], %parallel_loop3A_123 {strides = array<i32>} : memref<4x4096xf32, #tpu.memory_space<vmem>>, vector<1x16xf32>,
        } {sc.loop_unroll_factor = 16 : i64, sc.parallel_access}
        %lt3A_98 = arith.constant 97 : i32
        %lt3A_99 = arith.cmpi slt, %add3A_57, %lt3A_98 : i32
        %convert_element_type3A_100 = arith.extui %lt3A_99 : i1 to i32
        %cond3A_101 = arith.constant 0 : i32
        %cond3A_102 = arith.cmpi ne, %convert_element_type3A_100, %cond3A_101 : i32
        scf.if %cond3A_102 {
          %add3A_107 = arith.constant 12 : i32
          %add3A_108 = arith.addi %add3A_65, %add3A_107 : i32
          %dma_start3A_109 = arith.constant 0 : i32
          %dma_start3A_110 = tpu.memref_slice %arg2[%add3A_108, %dma_start3A_109] : memref<12800x4096xf32, #tpu.memory_space<hbm>> -> memref<4x4096xf32, #tpu.memory_space<hbm>>
          %dma_start3A_111 = arith.constant 0 : i32
          %dma_start3A_112 = tpu.memref_slice %arg2[%add3A_108, %dma_start3A_111] : memref<12800x4096xf32, #tpu.memory_space<hbm>> -> memref<4x4096xf32, #tpu.memory_space<hbm>>
          tpu.enqueue_dma source(%dma_start3A_112 : memref<4x4096xf32, #tpu.memory_space<hbm>>) target(%arg8 : memref<4x4096xf32, #tpu.memory_space<vmem>>) target_semaphore(%arg14 : memref<!tpu.dma_semaphore, #tpu.memory_space<semaphore_mem>>)
        } else {
        }
        %dma_start3A_103 = arith.constant 0 : i32
        %dma_start3A_104 = tpu.memref_slice %arg4[%add3A_65, %dma_start3A_103] : memref<12800x4096xf32, #tpu.memory_space<hbm>> -> memref<4x4096xf32, #tpu.memory_space<hbm>>
        %dma_start3A_105 = arith.constant 0 : i32
        %dma_start3A_106 = tpu.memref_slice %arg4[%add3A_65, %dma_start3A_105] : memref<12800x4096xf32, #tpu.memory_space<hbm>> -> memref<4x4096xf32, #tpu.memory_space<hbm>>
        tpu.enqueue_dma source(%arg11 : memref<4x4096xf32, #tpu.memory_space<vmem>>) target(%dma_start3A_106 : memref<4x4096xf32, #tpu.memory_space<hbm>>) target_semaphore(%arg17 : memref<!tpu.dma_semaphore, #tpu.memory_space<semaphore_mem>>)
      } else {
      }
    }
    %scan3A_24 = arith.constant 34 : i32
    %add3A_25 = arith.constant 388 : i32
    %add3A_26 = arith.addi %mul3A_2, %add3A_25 : i32
    %dma_wait3A = arith.constant 0 : i32
    %dma_wait3A_27 = tpu.memref_slice %arg4[%add3A_26, %dma_wait3A] : memref<12800x4096xf32, #tpu.memory_space<hbm>> -> memref<4x4096xf32, #tpu.memory_space<hbm>>
    %dma_wait3A_28 = arith.constant 0 : i32
    %dma_wait3A_29 = tpu.memref_slice %arg4[%add3A_26, %dma_wait3A_28] : memref<12800x4096xf32, #tpu.memory_space<hbm>> -> memref<4x4096xf32, #tpu.memory_space<hbm>>
    tpu.wait_dma2 semaphore(%arg16 : memref<!tpu.dma_semaphore, #tpu.memory_space<semaphore_mem>>) src(%arg10 : memref<4x4096xf32, #tpu.memory_space<vmem>>) dst(%dma_wait3A_29 : memref<4x4096xf32, #tpu.memory_space<hbm>>)
    %add3A_30 = arith.constant 392 : i32
    %add3A_31 = arith.addi %mul3A_2, %add3A_30 : i32
    %dma_wait3A_32 = arith.constant 0 : i32
    %dma_wait3A_33 = tpu.memref_slice %arg4[%add3A_31, %dma_wait3A_32] : memref<12800x4096xf32, #tpu.memory_space<hbm>> -> memref<4x4096xf32, #tpu.memory_space<hbm>>
    %dma_wait3A_34 = arith.constant 0 : i32
    %dma_wait3A_35 = tpu.memref_slice %arg4[%add3A_31, %dma_wait3A_34] : memref<12800x4096xf32, #tpu.memory_space<hbm>> -> memref<4x4096xf32, #tpu.memory_space<hbm>>
    tpu.wait_dma2 semaphore(%arg17 : memref<!tpu.dma_semaphore, #tpu.memory_space<semaphore_mem>>) src(%arg11 : memref<4x4096xf32, #tpu.memory_space<vmem>>) dst(%dma_wait3A_35 : memref<4x4096xf32, #tpu.memory_space<hbm>>)
    %add3A_36 = arith.constant 396 : i32
    %add3A_37 = arith.addi %mul3A_2, %add3A_36 : i32
    %dma_wait3A_38 = arith.constant 0 : i32
    %dma_wait3A_39 = tpu.memref_slice %arg4[%add3A_37, %dma_wait3A_38] : memref<12800x4096xf32, #tpu.memory_space<hbm>> -> memref<4x4096xf32, #tpu.memory_space<hbm>>
    %dma_wait3A_40 = arith.constant 0 : i32
    %dma_wait3A_41 = tpu.memref_slice %arg4[%add3A_37, %dma_wait3A_40] : memref<12800x4096xf32, #tpu.memory_space<hbm>> -> memref<4x4096xf32, #tpu.memory_space<hbm>>
    tpu.wait_dma2 semaphore(%arg15 : memref<!tpu.dma_semaphore, #tpu.memory_space<semaphore_mem>>) src(%arg9 : memref<4x4096xf32, #tpu.memory_space<vmem>>) dst(%dma_wait3A_41 : memref<4x4096xf32, #tpu.memory_space<hbm>>)
    return
  }
}

</mosaic_0001>

<sc_bundles>
// kernel: kernel.3.cloned.1.call-start
scs
__scs_entry_jumppad:
0x0: {  	(pc) =	sbr.rel $0x88, $3  }
0x1: {  	(tag) =	ssettag $0x0;
	lr =	simm.s32 $0x1  }
0x2: {  	[smem:$0x3F9F] =	sst lr;
	_ =	strace $0xD0000000  }
0x3: {  	_ = 	snop  }
0x4: {  	_ = 	snop  }
0x5: {  	_ = 	snop  }
0x6: {  	_ = 	snop  }
0x7: {  	_ = 	snop  }
__scs_overlays_trampoline_lowered:
0x8: {  	[smem:$0x3FAE] =	sst s0  }
0x9: {  	[smem:$0x3FAF] =	sst s1  }
0xa: {  	[smem:$0x3FB0] =	sst s2  }
0xb: {  	[smem:$0x3FB1] =	sst s3  }
0xc: {  	[smem:$0x3FB2] =	sst s4  }
0xd: {  	[smem:$0x3FB3] =	sst s5  }
0xe: {  	[smem:$0x3FB4] =	sst s6  }
0xf: {  	[smem:$0x3FB5] =	sst s7  }
0x10: {  	[smem:$0x3FB6] =	sst s8  }
0x11: {  	[smem:$0x3FB7] =	sst s9;
	s0 =	simm.s32 @!p0 $0x0  }
0x12: {  	s1 =	sld [smem:$0x3F9D];
	s0 =	simm.s32 @p0 $0x1  }
0x13: {  	[smem:$0x3FB8] =	sst s0;
	s0 =	simm.s32 @!p1 $0x0  }
0x14: {  	s2 =	sld [smem:$0x3F9C];
	s0 =	simm.s32 @p1 $0x1  }
0x15: {  	[smem:$0x3FB9] =	sst s0;
	s0 =	simm.s32 @!p2 $0x0  }
0x16: {  	s3 =	sld [smem:$0x3FDB];
	s0 =	simm.s32 @p2 $0x1  }
0x17: {  	s4 =	simm.s32 $0x1BF5;
	[smem:$0x3FBB] =	sst s0  }
0x18: {  	s0 =	sld [smem:$0x3F9E];
	_ =	swait.ge [sflag:s4], $0x0  }
0x19: {  	s7 =	sld [smem:$0x3F9F]  }
0x1a: {  	s8 =	sadd.s32 $0xFFFFE003, lr  }
0x1b: {  	s9 =	sadd.s32 $0xFFFFFEF7, lr;
	s5 =	simm.s32 $0xFFFFFFFF;
	p2 =	slt.u32 s8, $0xFFFFF086  }
0x1c: {  	p1 =	slt.u32 s9, $0xF7A;
	s5 =	simm.s32 @!p2 $0x0  }
0x1d: {  	s5 =	simm.s32 @p1 $0x1;
	p0 =	seq.s32 s7, s2  }
0x1e: {  	s7 =	smul.u32 @!p0 $0xF7A, s2;
	p2 =	seq.s32 @!p0 s5, $0x0  }
0x1f: {  	s9 =	smul.u32 $0xF7A, s1;
	s8 =	simm.s32 @!p0 $0x1BF5;
	p2 =	por !p2, p0  }
0x20: {  	[sflag:s8] =	ssyncset.s32 @!p0 $0xFFFFF086;
	s6 =	sadd.s32 @!p0 s3, s7;
	s7 =	simm.s32 @!p0 $0x108  }
0x21: {  	s3 =	sadd.s32 s3, s9;
	s6 =	sadd.s32 @!p0 $0x88, s6;
	s7 =	simm.s32 @p2 $0x1082  }
0x22: {  	[simem:s7], [sflag:s8] =	dma.local @!p0 [hbm:s6], $0xF7A  }
0x23: {  	s9 =	sor.u32 $0xD0000000, s2;
	s6 =	simm.s32 $0x108;
	_ =	swait.ge @!p0 [sflag:s8], $0x0  }
0x24: {  	s3 =	sadd.s32 $0x88, s3;
	s6 =	simm.s32 @!p1 $0x1082;
	[sflag:s4] =	ssyncset.s32 $0xFFFFF086  }
0x25: {  	[simem:s6], [sflag:s4] =	dma.local [hbm:s3], $0xF7A  }
0x26: {  	[smem:$0x3F9F] =	sst s1;
	(tag) =	ssettag s2;
	_ =	strace s9  }
0x27: {  	s1 =	sld [smem:$0x3FAF]  }
0x28: {  	s2 =	sld [smem:$0x3FB0]  }
0x29: {  	s4 =	sld [smem:$0x3FB2]  }
0x2a: {  	p0 =	seq.s32 s5, $0x0;
	s5 =	sld [smem:$0x3FB3]  }
0x2b: {  	s6 =	sld [smem:$0x3FB4]  }
0x2c: {  	s7 =	sld [smem:$0x3FB5]  }
0x2d: {  	s3 =	simm.s32 $0x108;
	s8 =	sld [smem:$0x3FB6]  }
0x2e: {  	s3 =	simm.s32 @!p0 $0x1082;
	s9 =	sld [smem:$0x3FB7]  }
0x2f: {  	lr =	sadd.s32 s0, s3;
	s0 =	sld [smem:$0x3FAE]  }
0x30: {  	s3 =	sld [smem:$0x3FB1]  }
0x31: {  	[smem:$0x3FBA] =	sst s10  }
0x32: {  	s10 =	sld [smem:$0x3FB8];
	_ =	sdelay $0x3  }
0x33: {  	p0 =	seq.s32 s10, $0x1;
	s10 =	sld [smem:$0x3FBA];
	_ =	sdelay $0x3  }
0x34: {  	[smem:$0x3FBA] =	sst s10  }
0x35: {  	s10 =	sld [smem:$0x3FB9];
	_ =	sdelay $0x3  }
0x36: {  	p1 =	seq.s32 s10, $0x1;
	s10 =	sld [smem:$0x3FBA];
	_ =	sdelay $0x3  }
0x37: {  	[smem:$0x3FBA] =	sst s10  }
0x38: {  	s10 =	sld [smem:$0x3FBB]  }
0x39: {  	_ = 	snop;
	(pc) =	sbr.ind lr, $3  }
0x3a: {  	_ = 	snop  }
0x3b: {  	_ = 	snop  }
0x3c: {  	p2 =	seq.s32 s10, $0x1;
	s10 =	sld [smem:$0x3FBA]  }
0x3d: {  	_ =	shalt  }
0x3e: {  	_ =	shalt  }
0x3f: {  	_ =	shalt  }
0x40: {  	_ =	shalt  }
0x41: {  	_ =	shalt  }
0x42: {  	_ =	shalt  }
0x43: {  	_ =	shalt  }
0x44: {  	_ =	shalt  }
0x45: {  	_ =	shalt  }
0x46: {  	_ =	shalt  }
0x47: {  	_ =	shalt  }
0x48: {  	_ =	shalt  }
0x49: {  	_ =	shalt  }
0x4a: {  	_ =	shalt  }
0x4b: {  	_ =	shalt  }
0x4c: {  	_ =	shalt  }
0x4d: {  	_ =	shalt  }
0x4e: {  	_ =	shalt  }
0x4f: {  	_ =	shalt  }
0x50: {  	_ =	shalt  }
0x51: {  	_ =	shalt  }
0x52: {  	_ =	shalt  }
0x53: {  	_ =	shalt  }
0x54: {  	_ =	shalt  }
0x55: {  	_ =	shalt  }
0x56: {  	_ =	shalt  }
0x57: {  	_ =	shalt  }
0x58: {  	_ =	shalt  }
0x59: {  	_ =	shalt  }
0x5a: {  	_ =	shalt  }
0x5b: {  	_ =	shalt  }
0x5c: {  	_ =	shalt  }
0x5d: {  	_ =	shalt  }
0x5e: {  	_ =	shalt  }
0x5f: {  	_ =	shalt  }
0x60: {  	_ =	shalt  }
0x61: {  	_ =	shalt  }
0x62: {  	_ =	shalt  }
0x63: {  	_ =	shalt  }
0x64: {  	_ =	shalt  }
0x65: {  	_ =	shalt  }
0x66: {  	_ =	shalt  }
0x67: {  	_ =	shalt  }
0x68: {  	_ =	shalt  }
0x69: {  	_ =	shalt  }
0x6a: {  	_ =	shalt  }
0x6b: {  	_ =	shalt  }
0x6c: {  	_ =	shalt  }
0x6d: {  	_ =	shalt  }
0x6e: {  	_ =	shalt  }
0x6f: {  	_ =	shalt  }
0x70: {  	_ =	shalt  }
0x71: {  	_ =	shalt  }
0x72: {  	_ =	shalt  }
0x73: {  	_ =	shalt  }
0x74: {  	_ =	shalt  }
0x75: {  	_ =	shalt  }
0x76: {  	_ =	shalt  }
0x77: {  	_ =	shalt  }
0x78: {  	_ =	shalt  }
0x79: {  	_ =	shalt  }
0x7a: {  	_ =	shalt  }
0x7b: {  	_ =	shalt  }
0x7c: {  	_ =	shalt  }
0x7d: {  	_ =	shalt  }
0x7e: {  	_ =	shalt  }
0x7f: {  	_ =	shalt  }
0x80: {  	_ =	shalt  }
0x81: {  	_ =	shalt  }
0x82: {  	_ =	shalt  }
0x83: {  	_ =	shalt  }
0x84: {  	_ =	shalt  }
0x85: {  	_ =	shalt  }
0x86: {  	_ =	shalt  }
0x87: {  	_ =	shalt  }
.Lfunc_end0:
.L_simem_size_0:
called_computation_lowered:
.L_overlay_start_0:
0x88: {  	s2 =	sld [smem:$0x3FD9]  }
0x89: {  	s3 =	sld [smem:$0x3FFE];
	_ =	sdelay $0x1  }
0x8a: {  	s1 =	srdreg.scid  }
0x8b: {  	s0 =	sand.u32 $0x1, s1  }
0x8c: {  	s17 =	sshll.u32 s0, $0xA;
	s2 =	sadd.s32 s3, s2  }
0x8d: {  	s2 =	sadd.s32 s2, s17  }
0x8e: {  	[smem:$0x3FC6] =	sst s2  }
0x8f: {  	_ = 	snop  }
0x90: {  	s2 =	sld [smem:$0x3FC9]  }
0x91: {  	s18 =	sld [smem:$0x3FD0];
	(tm) =	ssettm $0x1  }
0x92: {  	s4 =	sld [smem:$0x3FFB];
	_ =	sdelay $0x3  }
0x93: {  	_ =	strace s4  }
0x94: {  	s4 =	sld [smem:$0x3FFC];
	_ =	sdelay $0x3  }
0x95: {  	_ =	strace s4  }
0x96: {  	s4 =	sld [smem:$0x3FFD];
	_ =	sdelay $0x3  }
0x97: {  	_ =	strace s4  }
0x98: {  	_ =	strace $0x8FFFFFFF  }
0x99: {  	s19 =	sld [smem:$0x3FDB];
	_ =	sdelay $0x1  }
0x9a: {  	s5 =	simm.s32 $_scs_section_size  }
0x9b: {  	s6 =	simm.s32 $_size__tile_overlayer_lowered;
	s7 =	simm.s32 $_tile_overlayer_lowered  }
0x9c: {  	s22 =	simm.s32 $0x1BFF;
	s21 =	sshll.u32 s7, $0x1;
	s4 =	sadd.s32 s5, s19  }
0x9d: {  	s8 =	simm.s32 $0x0;
	s20 =	sshll.u32 s6, $0x1;
	s6 =	sadd.s32 s21, s4  }
0x9e: {  	[timem:s8], [sflag:s22] =	dma.local [hbm:s6], s20  }
0x9f: {  	_ =	swait.ge [sflag:s22], s20  }
0xa0: {  	s5 =	ssub.s32 $0x0, s20;
	[sflag:s22] =	ssyncset.done $0x0  }
0xa1: {  	[sflag:s22] =	ssyncadd.s32 s5;
	_ =	sdelay $0x1  }
0xa2: {  	s23 =	simm.s32 $0x1B8B  }
0xa3: {  	_ =	swait.ge [sflag:s23], $0x1  }
0xa4: {  	[sflag:s23] =	ssyncset.done $0x0  }
0xa5: {  	s25 =	simm.s32 $0x1B8E;
	s24 =	sld [smem:$0x3FFE];
	[sflag:s23] =	ssyncadd.s32 $0xFFFFFFFF  }
0xa6: {  	s26 =	simm.s32 $execute0_lowered;
	[smem:$0x3FD2] =	sst s25  }
0xa7: {  	s6 =	sshll.u32 s26, $0x1;
	_ =	strace $0x80000046;
	[dreg:$0x1] =	wrdreg $0xFFFFFFFF  }
0xa8: {  	s28 =	simm.s32 $_size_execute0_lowered;
	s4 =	sadd.s32 s4, s6;
	[dreg:$0x0] =	wrdreg $0x0  }
0xa9: {  	s6 =	sshll.u32 s28, $0x1;
	[dreg:$0x2] =	wrdreg s4  }
0xaa: {  	[dreg:$0x3] =	wrdreg s6  }
0xab: {  	[dreg:$0x4] =	wrdreg $0xC0  }
0xac: {  	_ =	task [dreg:s8], $0x5FFFF  }
0xad: {  	[dreg:$0x1] =	wrdreg $0xFFFFFFFF  }
0xae: {  	[dreg:$0x0] =	wrdreg $0x60  }
0xaf: {  	[dreg:$0x2] =	wrdreg s2  }
0xb0: {  	[dreg:$0x3] =	wrdreg s24  }
0xb1: {  	[dreg:$0x4] =	wrdreg s18  }
0xb2: {  	[dreg:$0x5] =	wrdreg $0x9  }
0xb3: {  	_ =	task.clear_ibuf [dreg:s8], $0x6FFFF;
	_ =	strace $0x90000046  }
0xb4: {  	s29 =	simm.s32 $0x9;
	_ =	strace $0x80000048  }
0xb5: {  	_ =	swait.ge [sflag:s29], $0x1  }
0xb6: {  	[sflag:s29] =	ssyncadd.s32 $0xFFFFFFFF  }
0xb7: {  	_ =	strace $0x90000048  }
0xb8: {  	_ =	sfence  }
0xb9: {  	s30 =	sld [smem:$0x0];
	_ =	sdelay $0x2  }
0xba: {  	s31 =	sshll.u32 s1, $0xD;
	s1 =	sshrl.u32 s1, $0x2  }
0xbb: {  	s3 =	sand.u32 $0x4000, s31;
	s1 =	sadd.s32 s1, s30  }
0xbc: {  	s0 =	sor.u32 s3, s0;
	s1 =	sshll.u32 s1, $0x11  }
0xbd: {  	s0 =	sor.u32 s1, s0  }
0xbe: {  	s0 =	sadd.s32 $0x8F2B, s0  }
0xbf: {  	[sflag:s0] =	ssyncadd.remote.s32 $0x1  }
0xc0: {  	_ =	sfence.sel $0xFFFF  }
0xc1: {  	[dreg:$0x0] =	wrdreg $0xFFFFFFFF;
	(pc) =	sbr.abs _section_cstart, $3  }
0xc2: {  	[dreg:$0x1] =	wrdreg $0xFFFFFFFF  }
0xc3: {  	_ =	task.clear_ibuf [dreg:s8], $0x2FFFF;
	_ =	strace $0x9FFFFFFF  }
0xc4: {  	(tm) =	ssettm $0x7FFFFFFF  }
0xc5: {  	_ =	shalt  }
tec
execute0_lowered:
.L_overlay_start_1:
0x0: {  	(tag) =	ssettag $0x1  }
0x1: {  	s1 =	rddreg [dreg:$0x0];
	s0 =	srdreg.scid  }
0x2: {  	s3 =	stileid.u32;
	s2 =	rddreg [dreg:$0x1]  }
0x3: {  	s11 =	simm.s32 $0x7;
	s12 =	simm.s32 $0x400;
	s13 =	simm.s32 $0x200  }
0x4: {  	s16 =	simm.s32 $0x1;
	s17 =	simm.s32 $0xC200;
	s18 =	simm.s32 $0x5  }
0x5: {  	s19 =	simm.s32 $0x6;
	s20 =	simm.s32 $0x4;
	s21 =	simm.s32 $0x2  }
0x6: {  	s22 =	simm.s32 $0x10200;
	s0 =	sand.u32 $0x1, s0;
	s4 =	sshll.u32 s3, $0x1  }
0x7: {  	s23 =	simm.s32 $0x3;
	s24 =	simm.s32 $0x14200;
	s6 =	sor.u32 s0, s4  }
0x8: {  	s25 =	simm.s32 $0x0;
	s3 =	rddreg [dreg:$0x2];
	s5 =	smul.u32 $0x190, s6  }
.Ltmp0:
0x9: {  	s4 =	simm.s32 $0x0;
	s0 =	ssub.s32 $0x2, s0;
	(pc) =	sbr.rel .LBB2_1-.Ltmp0, $4  }
0xa: {  	[smem:$0x7FF] =	sst s4;
	s8 =	smul.u32 $0x32000, s6;
	s31 =	sshrl.u32 s0, $0x1  }
0xb: {  	_ =	strace $0x80000047;
	s0 =	ssub.s32 s0, s31;
	s7 =	sshrl.u32 s5, $0x3  }
0xc: {  	s10 =	smax.u32 s0, $0x1;
	s2 =	sadd.s32 s7, s2;
	s7 =	sadd.s32 s1, s8  }
0xd: {  	s6 =	sadd.s32 $0x400, s2;
	s8 =	sadd.s32 $0x40, s7;
	s9 =	sadd.s32 $0x1000, s7  }
.LBB2_30:
0xe: {  	s0 =	sadd.s32 s3, s2  }
0xf: {  	[hbm4b:s0+s13] =	stream.strided.scatter [tilespmem:s17], [sflag:$0x4], $0x4000, s12, s13, $0x38;
	[tilespmem:$0x18200] =	vst v63  }
.LBB2_28:
0x10: {  	_ =	swait.ge [sflag:s18], $0x4000  }
0x11: {  	[sflag:s18] =	ssyncset.done $0x0  }
0x12: {  	s25 =	sadd.s32 $0x1, s25;
	[sflag:s18] =	ssyncadd.s32 $0xFFFFC000  }
0x13: {  	p0 =	sne.s32 s25, s10;
	_ =	swait.ge [sflag:s19], $0x4000  }
.Ltmp1:
0x14: {  	[sflag:s19] =	ssyncset.done $0x0;
	(pc) =	sbr.rel @!p0 .LBB2_29-.Ltmp1, $4  }
0x15: {  	[sflag:s19] =	ssyncadd.s32 $0xFFFFC000  }
0x16: {  	_ =	swait.ge [sflag:s20], $0x4000  }
0x17: {  	[sflag:s20] =	ssyncset.done $0x0  }
0x18: {  	[sflag:s20] =	ssyncadd.s32 $0xFFFFC000  }
.LBB2_1:
0x19: {  	[tilespmem:s4], [sflag:$0x7] =	stream.linear.gather [hbm4b:s6+s4], $0x190, $0x38;
	[tilespmem:$0x18200] =	vst v63  }
0x1a: {  	_ =	swait.ge [sflag:s11], $0x190  }
0x1b: {  	[sflag:s11] =	ssyncset.done $0x0  }
0x1c: {  	[sflag:s11] =	ssyncadd.s32 $0xFFFFFE70  }
0x1d: {  	[tilespmem:s13], [sflag:$0x1] =	stream.strided.gather [hbm4b:s7+s13], $0x4000, s12, s13, $0x38;
	[tilespmem:$0x18200] =	vst v63  }
0x1e: {  	s0 =	simm.s32 $0x4200  }
0x1f: {  	[tilespmem:s0], [sflag:$0x2] =	stream.strided.gather [hbm4b:s8+s13], $0x4000, s12, s13, $0x38;
	[tilespmem:$0x18200] =	vst v63  }
0x20: {  	s31 =	simm.s32 $0x8200;
	s26 =	simm.s32 $0x0  }
0x21: {  	[tilespmem:s31], [sflag:$0x3] =	stream.strided.gather [hbm4b:s9+s13], $0x4000, s12, s13, $0x38;
	[tilespmem:$0x18200] =	vst v63  }
.LBB2_2:
0x22: {  	_ =	swait.ge [sflag:s16], $0x4000  }
0x23: {  	p0 =	seq.s32 s26, $0x0;
	[sflag:s16] =	ssyncset.done $0x0  }
0x24: {  	s0 =	simm.s32 @!p0 $0x4;
	[sflag:s16] =	ssyncadd.s32 $0xFFFFC000  }
0x25: {  	_ =	swait.ge @!p0 [sflag:s0], $0x4000  }
0x26: {  	s29 =	smul.u32 $0xC, s26;
	[sflag:s0] =	ssyncset.done @!p0 $0x0  }
0x27: {  	[sflag:s0] =	ssyncadd.s32 @!p0 $0xFFFFC000  }
0x28: {  	v0 =	vld [tilespmem:s29+$0x0]  }
0x29: {  	s15 =	simm.s32 $0x400  }
0x2a: {  	v2 =	vld [tilespmem:s15+$0x70]  }
0x2b: {  	v3 =	vld [tilespmem:s15+$0xFFFFFE10]  }
0x2c: {  	v4 =	vld [tilespmem:s15+$0xFFFFFE20]  }
0x2d: {  	v5 =	vld [tilespmem:s15+$0xFFFFFE30];
	v1 =	vbroadcast v0, $0x0  }
0x2e: {  	v6 =	vld [tilespmem:s15+$0xFFFFFE40]  }
0x2f: {  	v7 =	vld [tilespmem:s15+$0xFFFFFE50];
	v2 =	vadd.f32 v2, v1  }
0x30: {  	s0 =	simm.s32 $0xC400;
	v8 =	vld [tilespmem:s15+$0xFFFFFE60];
	v3 =	vadd.f32 v3, v1  }
0x31: {  	v9 =	vld [tilespmem:s15+$0xFFFFFE70];
	v4 =	vadd.f32 v4, v1;
	[tilespmem:s0+$0x70] =	vst v2  }
0x32: {  	[tilespmem:s0+$0xFFFFFE10] =	vst v3;
	v2 =	vadd.f32 v5, v1;
	v5 =	vld [tilespmem:s15+$0x0]  }
0x33: {  	[tilespmem:s0+$0xFFFFFE20] =	vst v4;
	v3 =	vadd.f32 v6, v1;
	v6 =	vld [tilespmem:s15+$0x10]  }
0x34: {  	v10 =	vld [tilespmem:s15+$0x20];
	v4 =	vadd.f32 v7, v1;
	[tilespmem:s0+$0xFFFFFE30] =	vst v2  }
0x35: {  	v7 =	vadd.f32 v8, v1;
	[tilespmem:s0+$0xFFFFFE40] =	vst v3;
	v2 =	vld [tilespmem:s15+$0x30]  }
0x36: {  	s31 =	sadd.s32 s5, s29;
	v8 =	vadd.f32 v9, v1;
	[tilespmem:s0+$0xFFFFFE50] =	vst v4;
	v3 =	vld [tilespmem:s15+$0x40]  }
0x37: {  	s14 =	sshll.u32 s26, $0x6;
	s2 =	sshll.u32 s31, $0x9;
	[tilespmem:s0+$0xFFFFFE60] =	vst v7;
	v4 =	vld [tilespmem:s15+$0x50];
	v9 =	vadd.f32 v5, v1  }
0x38: {  	s30 =	smul.u32 $0x3, s26;
	s28 =	sand.u32 $0x40, s14;
	s2 =	sand.u32 $0xFFFF000, s2;
	[tilespmem:s0+$0xFFFFFE70] =	vst v8;
	v5 =	vld [tilespmem:s15+$0x60];
	v7 =	vadd.f32 v6, v1  }
0x39: {  	s14 =	simm.s32 $0x0;
	s2 =	sor.u32 s28, s2;
	v8 =	vadd.f32 v10, v1;
	v6 =	vld [tilespmem:s15+$0xFFFFFE00];
	s15 =	simm.s32 $0x800;
	[tilespmem:s0+$0x0] =	vst v9  }
.LBB2_3:
0x3a: {  	v9 =	vld [tilespmem:s15+$0x70];
	s14 =	sadd.s32 $0x10, s14;
	[tilespmem:s0+$0x10] =	vst v7;
	v2 =	vadd.f32 v2, v1  }
0x3b: {  	v7 =	vld [tilespmem:s15+$0xFFFFFE10];
	p1 =	slt.u32 s14, $0xF0;
	[tilespmem:s0+$0x20] =	vst v8;
	v3 =	vadd.f32 v3, v1  }
0x3c: {  	v8 =	vld [tilespmem:s15+$0xFFFFFE20];
	[tilespmem:s0+$0x30] =	vst v2;
	v2 =	vadd.f32 v4, v1  }
0x3d: {  	v4 =	vld [tilespmem:s15+$0xFFFFFE30];
	[tilespmem:s0+$0x40] =	vst v3;
	v3 =	vadd.f32 v5, v1  }
0x3e: {  	v5 =	vld [tilespmem:s15+$0xFFFFFE40];
	v6 =	vadd.f32 v6, v1;
	[tilespmem:s0+$0x50] =	vst v2  }
0x3f: {  	v2 =	vld [tilespmem:s15+$0xFFFFFE50];
	v9 =	vadd.f32 v9, v1;
	[tilespmem:s0+$0x60] =	vst v3  }
0x40: {  	v3 =	vadd.f32 v7, v1;
	v7 =	vld [tilespmem:s15+$0xFFFFFE60];
	[tilespmem:s0+$0xFFFFFE00] =	vst v6;
	s0 =	sadd.s32 $0x400, s0  }
0x41: {  	v6 =	vadd.f32 v8, v1;
	v8 =	vld [tilespmem:s15+$0xFFFFFE70];
	[tilespmem:s0+$0x70] =	vst v9  }
0x42: {  	[tilespmem:s0+$0xFFFFFE10] =	vst v3;
	v3 =	vadd.f32 v4, v1;
	v4 =	vld [tilespmem:s15+$0x0]  }
0x43: {  	[tilespmem:s0+$0xFFFFFE20] =	vst v6;
	v5 =	vadd.f32 v5, v1;
	v6 =	vld [tilespmem:s15+$0x10]  }
0x44: {  	[tilespmem:s0+$0xFFFFFE30] =	vst v3;
	v3 =	vadd.f32 v2, v1;
	v9 =	vld [tilespmem:s15+$0x20]  }
.Ltmp2:
0x45: {  	[tilespmem:s0+$0xFFFFFE40] =	vst v5;
	v5 =	vadd.f32 v7, v1;
	v2 =	vld [tilespmem:s15+$0x30];
	(pc) =	sbr.rel @p1 .LBB2_3-.Ltmp2, $4  }
0x46: {  	[tilespmem:s0+$0xFFFFFE50] =	vst v3;
	v7 =	vadd.f32 v8, v1;
	v3 =	vld [tilespmem:s15+$0x40]  }
0x47: {  	[tilespmem:s0+$0xFFFFFE60] =	vst v5;
	v8 =	vadd.f32 v4, v1;
	v4 =	vld [tilespmem:s15+$0x50]  }
0x48: {  	[tilespmem:s0+$0xFFFFFE70] =	vst v7;
	v7 =	vadd.f32 v6, v1;
	v5 =	vld [tilespmem:s15+$0x60]  }
0x49: {  	v6 =	vld [tilespmem:s15+$0xFFFFFE00];
	[tilespmem:s0+$0x0] =	vst v8;
	v8 =	vadd.f32 v9, v1;
	s15 =	sadd.s32 $0x400, s15  }
0x4a: {  	[tilespmem:s0+$0x10] =	vst v7;
	v2 =	vadd.f32 v2, v1  }
0x4b: {  	[tilespmem:s0+$0x20] =	vst v8;
	v3 =	vadd.f32 v3, v1  }
0x4c: {  	[tilespmem:s0+$0x30] =	vst v2;
	v2 =	vadd.f32 v4, v1  }
0x4d: {  	[tilespmem:s0+$0x40] =	vst v3;
	v3 =	vadd.f32 v5, v1  }
0x4e: {  	v1 =	vadd.f32 v6, v1;
	[tilespmem:s0+$0x50] =	vst v2  }
0x4f: {  	[tilespmem:s0+$0x60] =	vst v3  }
0x50: {  	s15 =	simm.s32 $0x480;
	[tilespmem:s0+$0xFFFFFE00] =	vst v1  }
0x51: {  	v2 =	vld [tilespmem:s15+$0x70]  }
0x52: {  	v3 =	vld [tilespmem:s15+$0xFFFFFE10]  }
0x53: {  	v4 =	vld [tilespmem:s15+$0xFFFFFE20]  }
0x54: {  	v1 =	vbroadcast v0, $0x1;
	v5 =	vld [tilespmem:s15+$0xFFFFFE30]  }
0x55: {  	v6 =	vld [tilespmem:s15+$0xFFFFFE40]  }
0x56: {  	v7 =	vld [tilespmem:s15+$0xFFFFFE50];
	v2 =	vadd.f32 v2, v1  }
0x57: {  	s0 =	simm.s32 $0xC480;
	v8 =	vld [tilespmem:s15+$0xFFFFFE60];
	v3 =	vadd.f32 v3, v1  }
0x58: {  	v9 =	vld [tilespmem:s15+$0xFFFFFE70];
	v4 =	vadd.f32 v4, v1;
	[tilespmem:s0+$0x70] =	vst v2  }
0x59: {  	[tilespmem:s0+$0xFFFFFE10] =	vst v3;
	v2 =	vadd.f32 v5, v1;
	v5 =	vld [tilespmem:s15+$0x0]  }
0x5a: {  	[tilespmem:s0+$0xFFFFFE20] =	vst v4;
	v3 =	vadd.f32 v6, v1;
	v6 =	vld [tilespmem:s15+$0x10]  }
0x5b: {  	v10 =	vld [tilespmem:s15+$0x20];
	v4 =	vadd.f32 v7, v1;
	[tilespmem:s0+$0xFFFFFE30] =	vst v2  }
0x5c: {  	v7 =	vadd.f32 v8, v1;
	[tilespmem:s0+$0xFFFFFE40] =	vst v3;
	v2 =	vld [tilespmem:s15+$0x30]  }
0x5d: {  	v8 =	vadd.f32 v9, v1;
	[tilespmem:s0+$0xFFFFFE50] =	vst v4;
	v3 =	vld [tilespmem:s15+$0x40]  }
0x5e: {  	[tilespmem:s0+$0xFFFFFE60] =	vst v7;
	v4 =	vld [tilespmem:s15+$0x50];
	v9 =	vadd.f32 v5, v1  }
0x5f: {  	[tilespmem:s0+$0xFFFFFE70] =	vst v8;
	v5 =	vld [tilespmem:s15+$0x60];
	v7 =	vadd.f32 v6, v1  }
0x60: {  	s14 =	simm.s32 $0x0;
	v8 =	vadd.f32 v10, v1;
	v6 =	vld [tilespmem:s15+$0xFFFFFE00];
	s15 =	simm.s32 $0x880;
	[tilespmem:s0+$0x0] =	vst v9  }
.LBB2_5:
0x61: {  	v9 =	vld [tilespmem:s15+$0x70];
	s14 =	sadd.s32 $0x10, s14;
	[tilespmem:s0+$0x10] =	vst v7;
	v2 =	vadd.f32 v2, v1  }
0x62: {  	v7 =	vld [tilespmem:s15+$0xFFFFFE10];
	p1 =	slt.u32 s14, $0xF0;
	[tilespmem:s0+$0x20] =	vst v8;
	v3 =	vadd.f32 v3, v1  }
0x63: {  	v8 =	vld [tilespmem:s15+$0xFFFFFE20];
	[tilespmem:s0+$0x30] =	vst v2;
	v2 =	vadd.f32 v4, v1  }
0x64: {  	v4 =	vld [tilespmem:s15+$0xFFFFFE30];
	[tilespmem:s0+$0x40] =	vst v3;
	v3 =	vadd.f32 v5, v1  }
0x65: {  	v5 =	vld [tilespmem:s15+$0xFFFFFE40];
	v6 =	vadd.f32 v6, v1;
	[tilespmem:s0+$0x50] =	vst v2  }
0x66: {  	v2 =	vld [tilespmem:s15+$0xFFFFFE50];
	v9 =	vadd.f32 v9, v1;
	[tilespmem:s0+$0x60] =	vst v3  }
0x67: {  	v3 =	vadd.f32 v7, v1;
	v7 =	vld [tilespmem:s15+$0xFFFFFE60];
	[tilespmem:s0+$0xFFFFFE00] =	vst v6;
	s0 =	sadd.s32 $0x400, s0  }
0x68: {  	v6 =	vadd.f32 v8, v1;
	v8 =	vld [tilespmem:s15+$0xFFFFFE70];
	[tilespmem:s0+$0x70] =	vst v9  }
0x69: {  	[tilespmem:s0+$0xFFFFFE10] =	vst v3;
	v3 =	vadd.f32 v4, v1;
	v4 =	vld [tilespmem:s15+$0x0]  }
0x6a: {  	[tilespmem:s0+$0xFFFFFE20] =	vst v6;
	v5 =	vadd.f32 v5, v1;
	v6 =	vld [tilespmem:s15+$0x10]  }
0x6b: {  	[tilespmem:s0+$0xFFFFFE30] =	vst v3;
	v3 =	vadd.f32 v2, v1;
	v9 =	vld [tilespmem:s15+$0x20]  }
.Ltmp3:
0x6c: {  	[tilespmem:s0+$0xFFFFFE40] =	vst v5;
	v5 =	vadd.f32 v7, v1;
	v2 =	vld [tilespmem:s15+$0x30];
	(pc) =	sbr.rel @p1 .LBB2_5-.Ltmp3, $4  }
0x6d: {  	[tilespmem:s0+$0xFFFFFE50] =	vst v3;
	v7 =	vadd.f32 v8, v1;
	v3 =	vld [tilespmem:s15+$0x40]  }
0x6e: {  	[tilespmem:s0+$0xFFFFFE60] =	vst v5;
	v8 =	vadd.f32 v4, v1;
	v4 =	vld [tilespmem:s15+$0x50]  }
0x6f: {  	[tilespmem:s0+$0xFFFFFE70] =	vst v7;
	v7 =	vadd.f32 v6, v1;
	v5 =	vld [tilespmem:s15+$0x60]  }
0x70: {  	v6 =	vld [tilespmem:s15+$0xFFFFFE00];
	[tilespmem:s0+$0x0] =	vst v8;
	v8 =	vadd.f32 v9, v1;
	s15 =	sadd.s32 $0x400, s15  }
0x71: {  	[tilespmem:s0+$0x10] =	vst v7;
	v2 =	vadd.f32 v2, v1  }
0x72: {  	[tilespmem:s0+$0x20] =	vst v8;
	v3 =	vadd.f32 v3, v1  }
0x73: {  	[tilespmem:s0+$0x30] =	vst v2;
	v2 =	vadd.f32 v4, v1  }
0x74: {  	[tilespmem:s0+$0x40] =	vst v3;
	v3 =	vadd.f32 v5, v1  }
0x75: {  	v1 =	vadd.f32 v6, v1;
	[tilespmem:s0+$0x50] =	vst v2  }
0x76: {  	[tilespmem:s0+$0x60] =	vst v3  }
0x77: {  	s15 =	simm.s32 $0x500;
	[tilespmem:s0+$0xFFFFFE00] =	vst v1  }
0x78: {  	v2 =	vld [tilespmem:s15+$0x70]  }
0x79: {  	v3 =	vld [tilespmem:s15+$0xFFFFFE10]  }
0x7a: {  	v4 =	vld [tilespmem:s15+$0xFFFFFE20]  }
0x7b: {  	v1 =	vbroadcast v0, $0x2;
	v5 =	vld [tilespmem:s15+$0xFFFFFE30]  }
0x7c: {  	v6 =	vld [tilespmem:s15+$0xFFFFFE40]  }
0x7d: {  	v7 =	vld [tilespmem:s15+$0xFFFFFE50];
	v2 =	vadd.f32 v2, v1  }
0x7e: {  	s0 =	simm.s32 $0xC500;
	v8 =	vld [tilespmem:s15+$0xFFFFFE60];
	v3 =	vadd.f32 v3, v1  }
0x7f: {  	v9 =	vld [tilespmem:s15+$0xFFFFFE70];
	v4 =	vadd.f32 v4, v1;
	[tilespmem:s0+$0x70] =	vst v2  }
0x80: {  	[tilespmem:s0+$0xFFFFFE10] =	vst v3;
	v2 =	vadd.f32 v5, v1;
	v5 =	vld [tilespmem:s15+$0x0]  }
0x81: {  	[tilespmem:s0+$0xFFFFFE20] =	vst v4;
	v3 =	vadd.f32 v6, v1;
	v6 =	vld [tilespmem:s15+$0x10]  }
0x82: {  	v10 =	vld [tilespmem:s15+$0x20];
	v4 =	vadd.f32 v7, v1;
	[tilespmem:s0+$0xFFFFFE30] =	vst v2  }
0x83: {  	v7 =	vadd.f32 v8, v1;
	[tilespmem:s0+$0xFFFFFE40] =	vst v3;
	v2 =	vld [tilespmem:s15+$0x30]  }
0x84: {  	v8 =	vadd.f32 v9, v1;
	[tilespmem:s0+$0xFFFFFE50] =	vst v4;
	v3 =	vld [tilespmem:s15+$0x40]  }
0x85: {  	[tilespmem:s0+$0xFFFFFE60] =	vst v7;
	v4 =	vld [tilespmem:s15+$0x50];
	v9 =	vadd.f32 v5, v1  }
0x86: {  	[tilespmem:s0+$0xFFFFFE70] =	vst v8;
	v5 =	vld [tilespmem:s15+$0x60];
	v7 =	vadd.f32 v6, v1  }
0x87: {  	s14 =	simm.s32 $0x0;
	v8 =	vadd.f32 v10, v1;
	v6 =	vld [tilespmem:s15+$0xFFFFFE00];
	s15 =	simm.s32 $0x900;
	[tilespmem:s0+$0x0] =	vst v9  }
.LBB2_7:
0x88: {  	v9 =	vld [tilespmem:s15+$0x70];
	s14 =	sadd.s32 $0x10, s14;
	[tilespmem:s0+$0x10] =	vst v7;
	v2 =	vadd.f32 v2, v1  }
0x89: {  	v7 =	vld [tilespmem:s15+$0xFFFFFE10];
	p1 =	slt.u32 s14, $0xF0;
	[tilespmem:s0+$0x20] =	vst v8;
	v3 =	vadd.f32 v3, v1  }
0x8a: {  	v8 =	vld [tilespmem:s15+$0xFFFFFE20];
	[tilespmem:s0+$0x30] =	vst v2;
	v2 =	vadd.f32 v4, v1  }
0x8b: {  	v4 =	vld [tilespmem:s15+$0xFFFFFE30];
	[tilespmem:s0+$0x40] =	vst v3;
	v3 =	vadd.f32 v5, v1  }
0x8c: {  	v5 =	vld [tilespmem:s15+$0xFFFFFE40];
	v6 =	vadd.f32 v6, v1;
	[tilespmem:s0+$0x50] =	vst v2  }
0x8d: {  	v2 =	vld [tilespmem:s15+$0xFFFFFE50];
	v9 =	vadd.f32 v9, v1;
	[tilespmem:s0+$0x60] =	vst v3  }
0x8e: {  	v3 =	vadd.f32 v7, v1;
	v7 =	vld [tilespmem:s15+$0xFFFFFE60];
	[tilespmem:s0+$0xFFFFFE00] =	vst v6;
	s0 =	sadd.s32 $0x400, s0  }
0x8f: {  	v6 =	vadd.f32 v8, v1;
	v8 =	vld [tilespmem:s15+$0xFFFFFE70];
	[tilespmem:s0+$0x70] =	vst v9  }
0x90: {  	[tilespmem:s0+$0xFFFFFE10] =	vst v3;
	v3 =	vadd.f32 v4, v1;
	v4 =	vld [tilespmem:s15+$0x0]  }
0x91: {  	[tilespmem:s0+$0xFFFFFE20] =	vst v6;
	v5 =	vadd.f32 v5, v1;
	v6 =	vld [tilespmem:s15+$0x10]  }
0x92: {  	[tilespmem:s0+$0xFFFFFE30] =	vst v3;
	v3 =	vadd.f32 v2, v1;
	v9 =	vld [tilespmem:s15+$0x20]  }
.Ltmp4:
0x93: {  	[tilespmem:s0+$0xFFFFFE40] =	vst v5;
	v5 =	vadd.f32 v7, v1;
	v2 =	vld [tilespmem:s15+$0x30];
	(pc) =	sbr.rel @p1 .LBB2_7-.Ltmp4, $4  }
0x94: {  	[tilespmem:s0+$0xFFFFFE50] =	vst v3;
	v7 =	vadd.f32 v8, v1;
	v3 =	vld [tilespmem:s15+$0x40]  }
0x95: {  	[tilespmem:s0+$0xFFFFFE60] =	vst v5;
	v8 =	vadd.f32 v4, v1;
	v4 =	vld [tilespmem:s15+$0x50]  }
0x96: {  	[tilespmem:s0+$0xFFFFFE70] =	vst v7;
	v7 =	vadd.f32 v6, v1;
	v5 =	vld [tilespmem:s15+$0x60]  }
0x97: {  	v6 =	vld [tilespmem:s15+$0xFFFFFE00];
	[tilespmem:s0+$0x0] =	vst v8;
	v8 =	vadd.f32 v9, v1;
	s15 =	sadd.s32 $0x400, s15  }
0x98: {  	[tilespmem:s0+$0x10] =	vst v7;
	v2 =	vadd.f32 v2, v1  }
0x99: {  	[tilespmem:s0+$0x20] =	vst v8;
	v3 =	vadd.f32 v3, v1  }
0x9a: {  	[tilespmem:s0+$0x30] =	vst v2;
	v2 =	vadd.f32 v4, v1  }
0x9b: {  	[tilespmem:s0+$0x40] =	vst v3;
	v3 =	vadd.f32 v5, v1  }
0x9c: {  	v1 =	vadd.f32 v6, v1;
	[tilespmem:s0+$0x50] =	vst v2  }
0x9d: {  	[tilespmem:s0+$0x60] =	vst v3  }
0x9e: {  	s15 =	simm.s32 $0x580;
	[tilespmem:s0+$0xFFFFFE00] =	vst v1  }
0x9f: {  	v1 =	vld [tilespmem:s15+$0x70]  }
0xa0: {  	v2 =	vld [tilespmem:s15+$0xFFFFFE10]  }
0xa1: {  	v3 =	vld [tilespmem:s15+$0xFFFFFE20]  }
0xa2: {  	v0 =	vbroadcast v0, $0x3;
	v4 =	vld [tilespmem:s15+$0xFFFFFE30]  }
0xa3: {  	v5 =	vld [tilespmem:s15+$0xFFFFFE40]  }
0xa4: {  	v6 =	vld [tilespmem:s15+$0xFFFFFE50];
	v1 =	vadd.f32 v1, v0  }
0xa5: {  	s0 =	simm.s32 $0xC580;
	v7 =	vld [tilespmem:s15+$0xFFFFFE60];
	v2 =	vadd.f32 v2, v0  }
0xa6: {  	v8 =	vld [tilespmem:s15+$0xFFFFFE70];
	v3 =	vadd.f32 v3, v0;
	[tilespmem:s0+$0x70] =	vst v1  }
0xa7: {  	[tilespmem:s0+$0xFFFFFE10] =	vst v2;
	v1 =	vadd.f32 v4, v0;
	v4 =	vld [tilespmem:s15+$0x0]  }
0xa8: {  	[tilespmem:s0+$0xFFFFFE20] =	vst v3;
	v2 =	vadd.f32 v5, v0;
	v5 =	vld [tilespmem:s15+$0x10]  }
0xa9: {  	v9 =	vld [tilespmem:s15+$0x20];
	v3 =	vadd.f32 v6, v0;
	[tilespmem:s0+$0xFFFFFE30] =	vst v1  }
0xaa: {  	v6 =	vadd.f32 v7, v0;
	[tilespmem:s0+$0xFFFFFE40] =	vst v2;
	v1 =	vld [tilespmem:s15+$0x30]  }
0xab: {  	v7 =	vadd.f32 v8, v0;
	[tilespmem:s0+$0xFFFFFE50] =	vst v3;
	v2 =	vld [tilespmem:s15+$0x40]  }
0xac: {  	[tilespmem:s0+$0xFFFFFE60] =	vst v6;
	v3 =	vld [tilespmem:s15+$0x50];
	v8 =	vadd.f32 v4, v0  }
0xad: {  	[tilespmem:s0+$0xFFFFFE70] =	vst v7;
	v4 =	vld [tilespmem:s15+$0x60];
	v6 =	vadd.f32 v5, v0  }
0xae: {  	s14 =	simm.s32 $0x0;
	v7 =	vadd.f32 v9, v0;
	v5 =	vld [tilespmem:s15+$0xFFFFFE00];
	s15 =	simm.s32 $0x980;
	[tilespmem:s0+$0x0] =	vst v8  }
.LBB2_9:
0xaf: {  	v8 =	vld [tilespmem:s15+$0x70];
	s14 =	sadd.s32 $0x10, s14;
	[tilespmem:s0+$0x10] =	vst v6;
	v1 =	vadd.f32 v1, v0  }
0xb0: {  	v6 =	vld [tilespmem:s15+$0xFFFFFE10];
	p1 =	slt.u32 s14, $0xF0;
	[tilespmem:s0+$0x20] =	vst v7;
	v2 =	vadd.f32 v2, v0  }
0xb1: {  	v7 =	vld [tilespmem:s15+$0xFFFFFE20];
	[tilespmem:s0+$0x30] =	vst v1;
	v1 =	vadd.f32 v3, v0  }
0xb2: {  	v3 =	vld [tilespmem:s15+$0xFFFFFE30];
	[tilespmem:s0+$0x40] =	vst v2;
	v2 =	vadd.f32 v4, v0  }
0xb3: {  	v4 =	vld [tilespmem:s15+$0xFFFFFE40];
	v5 =	vadd.f32 v5, v0;
	[tilespmem:s0+$0x50] =	vst v1  }
0xb4: {  	v1 =	vld [tilespmem:s15+$0xFFFFFE50];
	v8 =	vadd.f32 v8, v0;
	[tilespmem:s0+$0x60] =	vst v2  }
0xb5: {  	v2 =	vadd.f32 v6, v0;
	v6 =	vld [tilespmem:s15+$0xFFFFFE60];
	[tilespmem:s0+$0xFFFFFE00] =	vst v5;
	s0 =	sadd.s32 $0x400, s0  }
0xb6: {  	v5 =	vadd.f32 v7, v0;
	v7 =	vld [tilespmem:s15+$0xFFFFFE70];
	[tilespmem:s0+$0x70] =	vst v8  }
0xb7: {  	[tilespmem:s0+$0xFFFFFE10] =	vst v2;
	v2 =	vadd.f32 v3, v0;
	v3 =	vld [tilespmem:s15+$0x0]  }
0xb8: {  	[tilespmem:s0+$0xFFFFFE20] =	vst v5;
	v4 =	vadd.f32 v4, v0;
	v5 =	vld [tilespmem:s15+$0x10]  }
0xb9: {  	[tilespmem:s0+$0xFFFFFE30] =	vst v2;
	v2 =	vadd.f32 v1, v0;
	v8 =	vld [tilespmem:s15+$0x20]  }
.Ltmp5:
0xba: {  	[tilespmem:s0+$0xFFFFFE40] =	vst v4;
	v4 =	vadd.f32 v6, v0;
	v1 =	vld [tilespmem:s15+$0x30];
	(pc) =	sbr.rel @p1 .LBB2_9-.Ltmp5, $4  }
0xbb: {  	[tilespmem:s0+$0xFFFFFE50] =	vst v2;
	v6 =	vadd.f32 v7, v0;
	v2 =	vld [tilespmem:s15+$0x40]  }
0xbc: {  	[tilespmem:s0+$0xFFFFFE60] =	vst v4;
	v7 =	vadd.f32 v3, v0;
	v3 =	vld [tilespmem:s15+$0x50]  }
0xbd: {  	[tilespmem:s0+$0xFFFFFE70] =	vst v6;
	v6 =	vadd.f32 v5, v0;
	v4 =	vld [tilespmem:s15+$0x60]  }
0xbe: {  	v5 =	vld [tilespmem:s15+$0xFFFFFE00];
	[tilespmem:s0+$0x0] =	vst v7;
	v7 =	vadd.f32 v8, v0;
	s15 =	sadd.s32 $0x400, s15  }
0xbf: {  	[tilespmem:s0+$0x10] =	vst v6;
	v1 =	vadd.f32 v1, v0  }
0xc0: {  	p1 =	seq.s32 s26, $0x21;
	[tilespmem:s0+$0x20] =	vst v7;
	v2 =	vadd.f32 v2, v0  }
.Ltmp6:
0xc1: {  	[tilespmem:s0+$0x30] =	vst v1;
	v61 =	vadd.f32 v3, v0;
	(pc) =	sbr.rel @p1 .LBB2_30-.Ltmp6, $4  }
0xc2: {  	[tilespmem:s0+$0x40] =	vst v2;
	v62 =	vadd.f32 v4, v0  }
0xc3: {  	v63 =	vadd.f32 v5, v0;
	[tilespmem:s0+$0x50] =	vst v61  }
0xc4: {  	[tilespmem:s0+$0x60] =	vst v62  }
0xc5: {  	[tilespmem:s0+$0xFFFFFE00] =	vst v63  }
0xc6: {  	s0 =	sadd.s32 $0xC, s31  }
0xc7: {  	s14 =	sshll.u32 s0, $0x4  }
0xc8: {  	s0 =	sshll.u32 s0, $0x9;
	s14 =	sand.u32 $0x40, s14  }
0xc9: {  	s0 =	sand.u32 $0xFFFF000, s0;
	s14 =	sadd.s32 s1, s14  }
0xca: {  	s0 =	sadd.s32 s0, s14  }
0xcb: {  	[tilespmem:s13], [sflag:$0x1] =	stream.strided.gather [hbm4b:s0+s13], $0x4000, s12, s13, $0x38;
	[tilespmem:$0x18200] =	vst v63  }
0xcc: {  	s15 =	sadd.s32 s3, s2  }
0xcd: {  	[hbm4b:s15+s13] =	stream.strided.scatter [tilespmem:s17], [sflag:$0x4], $0x4000, s12, s13, $0x38;
	[tilespmem:$0x18200] =	vst v63  }
0xce: {  	_ =	swait.ge [sflag:s21], $0x4000  }
0xcf: {  	[sflag:s21] =	ssyncset.done $0x0  }
0xd0: {  	s0 =	simm.s32 @!p0 $0x5;
	[sflag:s21] =	ssyncadd.s32 $0xFFFFC000  }
0xd1: {  	_ =	swait.ge @!p0 [sflag:s0], $0x4000  }
0xd2: {  	s2 =	sadd.s32 $0x1, s30;
	[sflag:s0] =	ssyncset.done @!p0 $0x0  }
0xd3: {  	s14 =	sshll.u32 s2, $0x2;
	[sflag:s0] =	ssyncadd.s32 @!p0 $0xFFFFC000  }
0xd4: {  	v0 =	vld [tilespmem:s14+$0x0]  }
0xd5: {  	s15 =	simm.s32 $0x4400  }
0xd6: {  	v2 =	vld [tilespmem:s15+$0x70]  }
0xd7: {  	v3 =	vld [tilespmem:s15+$0xFFFFFE10]  }
0xd8: {  	v4 =	vld [tilespmem:s15+$0xFFFFFE20]  }
0xd9: {  	v5 =	vld [tilespmem:s15+$0xFFFFFE30];
	v1 =	vbroadcast v0, $0x0  }
0xda: {  	v6 =	vld [tilespmem:s15+$0xFFFFFE40]  }
0xdb: {  	v7 =	vld [tilespmem:s15+$0xFFFFFE50];
	v2 =	vadd.f32 v2, v1  }
0xdc: {  	s0 =	simm.s32 $0x10400;
	v8 =	vld [tilespmem:s15+$0xFFFFFE60];
	v3 =	vadd.f32 v3, v1  }
0xdd: {  	v9 =	vld [tilespmem:s15+$0xFFFFFE70];
	v4 =	vadd.f32 v4, v1;
	[tilespmem:s0+$0x70] =	vst v2  }
0xde: {  	[tilespmem:s0+$0xFFFFFE10] =	vst v3;
	v2 =	vadd.f32 v5, v1;
	v5 =	vld [tilespmem:s15+$0x0]  }
0xdf: {  	[tilespmem:s0+$0xFFFFFE20] =	vst v4;
	v3 =	vadd.f32 v6, v1;
	v6 =	vld [tilespmem:s15+$0x10]  }
0xe0: {  	v10 =	vld [tilespmem:s15+$0x20];
	v4 =	vadd.f32 v7, v1;
	[tilespmem:s0+$0xFFFFFE30] =	vst v2  }
0xe1: {  	v7 =	vadd.f32 v8, v1;
	[tilespmem:s0+$0xFFFFFE40] =	vst v3;
	v2 =	vld [tilespmem:s15+$0x30]  }
0xe2: {  	v8 =	vadd.f32 v9, v1;
	[tilespmem:s0+$0xFFFFFE50] =	vst v4;
	v3 =	vld [tilespmem:s15+$0x40]  }
0xe3: {  	s2 =	sshll.u32 s2, $0x6;
	s31 =	sadd.s32 s5, s14;
	[tilespmem:s0+$0xFFFFFE60] =	vst v7;
	v4 =	vld [tilespmem:s15+$0x50];
	v9 =	vadd.f32 v5, v1  }
0xe4: {  	s2 =	sand.u32 $0x40, s2;
	s14 =	sshll.u32 s31, $0x9;
	[tilespmem:s0+$0xFFFFFE70] =	vst v8;
	v5 =	vld [tilespmem:s15+$0x60];
	v7 =	vadd.f32 v6, v1  }
0xe5: {  	s30 =	sand.u32 $0xFFFF000, s14;
	s14 =	simm.s32 $0x0;
	v8 =	vadd.f32 v10, v1;
	v6 =	vld [tilespmem:s15+$0xFFFFFE00];
	s15 =	simm.s32 $0x4800;
	[tilespmem:s0+$0x0] =	vst v9  }
.LBB2_12:
0xe6: {  	v9 =	vld [tilespmem:s15+$0x70];
	s14 =	sadd.s32 $0x10, s14;
	[tilespmem:s0+$0x10] =	vst v7;
	v2 =	vadd.f32 v2, v1  }
0xe7: {  	v7 =	vld [tilespmem:s15+$0xFFFFFE10];
	p1 =	slt.u32 s14, $0xF0;
	[tilespmem:s0+$0x20] =	vst v8;
	v3 =	vadd.f32 v3, v1  }
0xe8: {  	v8 =	vld [tilespmem:s15+$0xFFFFFE20];
	[tilespmem:s0+$0x30] =	vst v2;
	v2 =	vadd.f32 v4, v1  }
0xe9: {  	v4 =	vld [tilespmem:s15+$0xFFFFFE30];
	[tilespmem:s0+$0x40] =	vst v3;
	v3 =	vadd.f32 v5, v1  }
0xea: {  	v5 =	vld [tilespmem:s15+$0xFFFFFE40];
	v6 =	vadd.f32 v6, v1;
	[tilespmem:s0+$0x50] =	vst v2  }
0xeb: {  	v2 =	vld [tilespmem:s15+$0xFFFFFE50];
	v9 =	vadd.f32 v9, v1;
	[tilespmem:s0+$0x60] =	vst v3  }
0xec: {  	v3 =	vadd.f32 v7, v1;
	v7 =	vld [tilespmem:s15+$0xFFFFFE60];
	[tilespmem:s0+$0xFFFFFE00] =	vst v6;
	s0 =	sadd.s32 $0x400, s0  }
0xed: {  	v6 =	vadd.f32 v8, v1;
	v8 =	vld [tilespmem:s15+$0xFFFFFE70];
	[tilespmem:s0+$0x70] =	vst v9  }
0xee: {  	[tilespmem:s0+$0xFFFFFE10] =	vst v3;
	v3 =	vadd.f32 v4, v1;
	v4 =	vld [tilespmem:s15+$0x0]  }
0xef: {  	[tilespmem:s0+$0xFFFFFE20] =	vst v6;
	v5 =	vadd.f32 v5, v1;
	v6 =	vld [tilespmem:s15+$0x10]  }
0xf0: {  	[tilespmem:s0+$0xFFFFFE30] =	vst v3;
	v3 =	vadd.f32 v2, v1;
	v9 =	vld [tilespmem:s15+$0x20]  }
.Ltmp7:
0xf1: {  	[tilespmem:s0+$0xFFFFFE40] =	vst v5;
	v5 =	vadd.f32 v7, v1;
	v2 =	vld [tilespmem:s15+$0x30];
	(pc) =	sbr.rel @p1 .LBB2_12-.Ltmp7, $4  }
0xf2: {  	[tilespmem:s0+$0xFFFFFE50] =	vst v3;
	v7 =	vadd.f32 v8, v1;
	v3 =	vld [tilespmem:s15+$0x40]  }
0xf3: {  	[tilespmem:s0+$0xFFFFFE60] =	vst v5;
	v8 =	vadd.f32 v4, v1;
	v4 =	vld [tilespmem:s15+$0x50]  }
0xf4: {  	[tilespmem:s0+$0xFFFFFE70] =	vst v7;
	v7 =	vadd.f32 v6, v1;
	v5 =	vld [tilespmem:s15+$0x60]  }
0xf5: {  	v6 =	vld [tilespmem:s15+$0xFFFFFE00];
	[tilespmem:s0+$0x0] =	vst v8;
	v8 =	vadd.f32 v9, v1;
	s15 =	sadd.s32 $0x400, s15  }
0xf6: {  	[tilespmem:s0+$0x10] =	vst v7;
	v2 =	vadd.f32 v2, v1  }
0xf7: {  	[tilespmem:s0+$0x20] =	vst v8;
	v3 =	vadd.f32 v3, v1  }
0xf8: {  	[tilespmem:s0+$0x30] =	vst v2;
	v2 =	vadd.f32 v4, v1  }
0xf9: {  	[tilespmem:s0+$0x40] =	vst v3;
	v3 =	vadd.f32 v5, v1  }
0xfa: {  	v1 =	vadd.f32 v6, v1;
	[tilespmem:s0+$0x50] =	vst v2  }
0xfb: {  	[tilespmem:s0+$0x60] =	vst v3  }
0xfc: {  	s15 =	simm.s32 $0x4480;
	[tilespmem:s0+$0xFFFFFE00] =	vst v1  }
0xfd: {  	v2 =	vld [tilespmem:s15+$0x70]  }
0xfe: {  	v3 =	vld [tilespmem:s15+$0xFFFFFE10]  }
0xff: {  	v4 =	vld [tilespmem:s15+$0xFFFFFE20]  }
0x100: {  	v1 =	vbroadcast v0, $0x1;
	v5 =	vld [tilespmem:s15+$0xFFFFFE30]  }
0x101: {  	v6 =	vld [tilespmem:s15+$0xFFFFFE40]  }
0x102: {  	v7 =	vld [tilespmem:s15+$0xFFFFFE50];
	v2 =	vadd.f32 v2, v1  }
0x103: {  	s0 =	simm.s32 $0x10480;
	v8 =	vld [tilespmem:s15+$0xFFFFFE60];
	v3 =	vadd.f32 v3, v1  }
0x104: {  	v9 =	vld [tilespmem:s15+$0xFFFFFE70];
	v4 =	vadd.f32 v4, v1;
	[tilespmem:s0+$0x70] =	vst v2  }
0x105: {  	[tilespmem:s0+$0xFFFFFE10] =	vst v3;
	v2 =	vadd.f32 v5, v1;
	v5 =	vld [tilespmem:s15+$0x0]  }
0x106: {  	[tilespmem:s0+$0xFFFFFE20] =	vst v4;
	v3 =	vadd.f32 v6, v1;
	v6 =	vld [tilespmem:s15+$0x10]  }
0x107: {  	v10 =	vld [tilespmem:s15+$0x20];
	v4 =	vadd.f32 v7, v1;
	[tilespmem:s0+$0xFFFFFE30] =	vst v2  }
0x108: {  	v7 =	vadd.f32 v8, v1;
	[tilespmem:s0+$0xFFFFFE40] =	vst v3;
	v2 =	vld [tilespmem:s15+$0x30]  }
0x109: {  	v8 =	vadd.f32 v9, v1;
	[tilespmem:s0+$0xFFFFFE50] =	vst v4;
	v3 =	vld [tilespmem:s15+$0x40]  }
0x10a: {  	[tilespmem:s0+$0xFFFFFE60] =	vst v7;
	v4 =	vld [tilespmem:s15+$0x50];
	v9 =	vadd.f32 v5, v1  }
0x10b: {  	[tilespmem:s0+$0xFFFFFE70] =	vst v8;
	v5 =	vld [tilespmem:s15+$0x60];
	v7 =	vadd.f32 v6, v1  }
0x10c: {  	s14 =	simm.s32 $0x0;
	v8 =	vadd.f32 v10, v1;
	v6 =	vld [tilespmem:s15+$0xFFFFFE00];
	s15 =	simm.s32 $0x4880;
	[tilespmem:s0+$0x0] =	vst v9  }
.LBB2_14:
0x10d: {  	v9 =	vld [tilespmem:s15+$0x70];
	s14 =	sadd.s32 $0x10, s14;
	[tilespmem:s0+$0x10] =	vst v7;
	v2 =	vadd.f32 v2, v1  }
0x10e: {  	v7 =	vld [tilespmem:s15+$0xFFFFFE10];
	p1 =	slt.u32 s14, $0xF0;
	[tilespmem:s0+$0x20] =	vst v8;
	v3 =	vadd.f32 v3, v1  }
0x10f: {  	v8 =	vld [tilespmem:s15+$0xFFFFFE20];
	[tilespmem:s0+$0x30] =	vst v2;
	v2 =	vadd.f32 v4, v1  }
0x110: {  	v4 =	vld [tilespmem:s15+$0xFFFFFE30];
	[tilespmem:s0+$0x40] =	vst v3;
	v3 =	vadd.f32 v5, v1  }
0x111: {  	v5 =	vld [tilespmem:s15+$0xFFFFFE40];
	v6 =	vadd.f32 v6, v1;
	[tilespmem:s0+$0x50] =	vst v2  }
0x112: {  	v2 =	vld [tilespmem:s15+$0xFFFFFE50];
	v9 =	vadd.f32 v9, v1;
	[tilespmem:s0+$0x60] =	vst v3  }
0x113: {  	v3 =	vadd.f32 v7, v1;
	v7 =	vld [tilespmem:s15+$0xFFFFFE60];
	[tilespmem:s0+$0xFFFFFE00] =	vst v6;
	s0 =	sadd.s32 $0x400, s0  }
0x114: {  	v6 =	vadd.f32 v8, v1;
	v8 =	vld [tilespmem:s15+$0xFFFFFE70];
	[tilespmem:s0+$0x70] =	vst v9  }
0x115: {  	[tilespmem:s0+$0xFFFFFE10] =	vst v3;
	v3 =	vadd.f32 v4, v1;
	v4 =	vld [tilespmem:s15+$0x0]  }
0x116: {  	[tilespmem:s0+$0xFFFFFE20] =	vst v6;
	v5 =	vadd.f32 v5, v1;
	v6 =	vld [tilespmem:s15+$0x10]  }
0x117: {  	[tilespmem:s0+$0xFFFFFE30] =	vst v3;
	v3 =	vadd.f32 v2, v1;
	v9 =	vld [tilespmem:s15+$0x20]  }
.Ltmp8:
0x118: {  	[tilespmem:s0+$0xFFFFFE40] =	vst v5;
	v5 =	vadd.f32 v7, v1;
	v2 =	vld [tilespmem:s15+$0x30];
	(pc) =	sbr.rel @p1 .LBB2_14-.Ltmp8, $4  }
0x119: {  	[tilespmem:s0+$0xFFFFFE50] =	vst v3;
	v7 =	vadd.f32 v8, v1;
	v3 =	vld [tilespmem:s15+$0x40]  }
0x11a: {  	[tilespmem:s0+$0xFFFFFE60] =	vst v5;
	v8 =	vadd.f32 v4, v1;
	v4 =	vld [tilespmem:s15+$0x50]  }
0x11b: {  	[tilespmem:s0+$0xFFFFFE70] =	vst v7;
	v7 =	vadd.f32 v6, v1;
	v5 =	vld [tilespmem:s15+$0x60]  }
0x11c: {  	v6 =	vld [tilespmem:s15+$0xFFFFFE00];
	[tilespmem:s0+$0x0] =	vst v8;
	v8 =	vadd.f32 v9, v1;
	s15 =	sadd.s32 $0x400, s15  }
0x11d: {  	[tilespmem:s0+$0x10] =	vst v7;
	v2 =	vadd.f32 v2, v1  }
0x11e: {  	[tilespmem:s0+$0x20] =	vst v8;
	v3 =	vadd.f32 v3, v1  }
0x11f: {  	[tilespmem:s0+$0x30] =	vst v2;
	v2 =	vadd.f32 v4, v1  }
0x120: {  	[tilespmem:s0+$0x40] =	vst v3;
	v3 =	vadd.f32 v5, v1  }
0x121: {  	v1 =	vadd.f32 v6, v1;
	[tilespmem:s0+$0x50] =	vst v2  }
0x122: {  	[tilespmem:s0+$0x60] =	vst v3  }
0x123: {  	s15 =	simm.s32 $0x4500;
	[tilespmem:s0+$0xFFFFFE00] =	vst v1  }
0x124: {  	v2 =	vld [tilespmem:s15+$0x70]  }
0x125: {  	v3 =	vld [tilespmem:s15+$0xFFFFFE10]  }
0x126: {  	v4 =	vld [tilespmem:s15+$0xFFFFFE20]  }
0x127: {  	v1 =	vbroadcast v0, $0x2;
	v5 =	vld [tilespmem:s15+$0xFFFFFE30]  }
0x128: {  	v6 =	vld [tilespmem:s15+$0xFFFFFE40]  }
0x129: {  	v7 =	vld [tilespmem:s15+$0xFFFFFE50];
	v2 =	vadd.f32 v2, v1  }
0x12a: {  	s0 =	simm.s32 $0x10500;
	v8 =	vld [tilespmem:s15+$0xFFFFFE60];
	v3 =	vadd.f32 v3, v1  }
0x12b: {  	v9 =	vld [tilespmem:s15+$0xFFFFFE70];
	v4 =	vadd.f32 v4, v1;
	[tilespmem:s0+$0x70] =	vst v2  }
0x12c: {  	[tilespmem:s0+$0xFFFFFE10] =	vst v3;
	v2 =	vadd.f32 v5, v1;
	v5 =	vld [tilespmem:s15+$0x0]  }
0x12d: {  	[tilespmem:s0+$0xFFFFFE20] =	vst v4;
	v3 =	vadd.f32 v6, v1;
	v6 =	vld [tilespmem:s15+$0x10]  }
0x12e: {  	v10 =	vld [tilespmem:s15+$0x20];
	v4 =	vadd.f32 v7, v1;
	[tilespmem:s0+$0xFFFFFE30] =	vst v2  }
0x12f: {  	v7 =	vadd.f32 v8, v1;
	[tilespmem:s0+$0xFFFFFE40] =	vst v3;
	v2 =	vld [tilespmem:s15+$0x30]  }
0x130: {  	v8 =	vadd.f32 v9, v1;
	[tilespmem:s0+$0xFFFFFE50] =	vst v4;
	v3 =	vld [tilespmem:s15+$0x40]  }
0x131: {  	[tilespmem:s0+$0xFFFFFE60] =	vst v7;
	v4 =	vld [tilespmem:s15+$0x50];
	v9 =	vadd.f32 v5, v1  }
0x132: {  	[tilespmem:s0+$0xFFFFFE70] =	vst v8;
	v5 =	vld [tilespmem:s15+$0x60];
	v7 =	vadd.f32 v6, v1  }
0x133: {  	s14 =	simm.s32 $0x0;
	v8 =	vadd.f32 v10, v1;
	v6 =	vld [tilespmem:s15+$0xFFFFFE00];
	s15 =	simm.s32 $0x4900;
	[tilespmem:s0+$0x0] =	vst v9  }
.LBB2_16:
0x134: {  	v9 =	vld [tilespmem:s15+$0x70];
	s14 =	sadd.s32 $0x10, s14;
	[tilespmem:s0+$0x10] =	vst v7;
	v2 =	vadd.f32 v2, v1  }
0x135: {  	v7 =	vld [tilespmem:s15+$0xFFFFFE10];
	p1 =	slt.u32 s14, $0xF0;
	[tilespmem:s0+$0x20] =	vst v8;
	v3 =	vadd.f32 v3, v1  }
0x136: {  	v8 =	vld [tilespmem:s15+$0xFFFFFE20];
	[tilespmem:s0+$0x30] =	vst v2;
	v2 =	vadd.f32 v4, v1  }
0x137: {  	v4 =	vld [tilespmem:s15+$0xFFFFFE30];
	[tilespmem:s0+$0x40] =	vst v3;
	v3 =	vadd.f32 v5, v1  }
0x138: {  	v5 =	vld [tilespmem:s15+$0xFFFFFE40];
	v6 =	vadd.f32 v6, v1;
	[tilespmem:s0+$0x50] =	vst v2  }
0x139: {  	v2 =	vld [tilespmem:s15+$0xFFFFFE50];
	v9 =	vadd.f32 v9, v1;
	[tilespmem:s0+$0x60] =	vst v3  }
0x13a: {  	v3 =	vadd.f32 v7, v1;
	v7 =	vld [tilespmem:s15+$0xFFFFFE60];
	[tilespmem:s0+$0xFFFFFE00] =	vst v6;
	s0 =	sadd.s32 $0x400, s0  }
0x13b: {  	v6 =	vadd.f32 v8, v1;
	v8 =	vld [tilespmem:s15+$0xFFFFFE70];
	[tilespmem:s0+$0x70] =	vst v9  }
0x13c: {  	[tilespmem:s0+$0xFFFFFE10] =	vst v3;
	v3 =	vadd.f32 v4, v1;
	v4 =	vld [tilespmem:s15+$0x0]  }
0x13d: {  	[tilespmem:s0+$0xFFFFFE20] =	vst v6;
	v5 =	vadd.f32 v5, v1;
	v6 =	vld [tilespmem:s15+$0x10]  }
0x13e: {  	[tilespmem:s0+$0xFFFFFE30] =	vst v3;
	v3 =	vadd.f32 v2, v1;
	v9 =	vld [tilespmem:s15+$0x20]  }
.Ltmp9:
0x13f: {  	[tilespmem:s0+$0xFFFFFE40] =	vst v5;
	v5 =	vadd.f32 v7, v1;
	v2 =	vld [tilespmem:s15+$0x30];
	(pc) =	sbr.rel @p1 .LBB2_16-.Ltmp9, $4  }
0x140: {  	[tilespmem:s0+$0xFFFFFE50] =	vst v3;
	v7 =	vadd.f32 v8, v1;
	v3 =	vld [tilespmem:s15+$0x40]  }
0x141: {  	[tilespmem:s0+$0xFFFFFE60] =	vst v5;
	v8 =	vadd.f32 v4, v1;
	v4 =	vld [tilespmem:s15+$0x50]  }
0x142: {  	[tilespmem:s0+$0xFFFFFE70] =	vst v7;
	v7 =	vadd.f32 v6, v1;
	v5 =	vld [tilespmem:s15+$0x60]  }
0x143: {  	v6 =	vld [tilespmem:s15+$0xFFFFFE00];
	[tilespmem:s0+$0x0] =	vst v8;
	v8 =	vadd.f32 v9, v1;
	s15 =	sadd.s32 $0x400, s15  }
0x144: {  	[tilespmem:s0+$0x10] =	vst v7;
	v2 =	vadd.f32 v2, v1  }
0x145: {  	[tilespmem:s0+$0x20] =	vst v8;
	v3 =	vadd.f32 v3, v1  }
0x146: {  	[tilespmem:s0+$0x30] =	vst v2;
	v2 =	vadd.f32 v4, v1  }
0x147: {  	[tilespmem:s0+$0x40] =	vst v3;
	v3 =	vadd.f32 v5, v1  }
0x148: {  	v1 =	vadd.f32 v6, v1;
	[tilespmem:s0+$0x50] =	vst v2  }
0x149: {  	[tilespmem:s0+$0x60] =	vst v3  }
0x14a: {  	s15 =	simm.s32 $0x4580;
	[tilespmem:s0+$0xFFFFFE00] =	vst v1  }
0x14b: {  	v1 =	vld [tilespmem:s15+$0x70]  }
0x14c: {  	v2 =	vld [tilespmem:s15+$0xFFFFFE10]  }
0x14d: {  	v3 =	vld [tilespmem:s15+$0xFFFFFE20]  }
0x14e: {  	v0 =	vbroadcast v0, $0x3;
	v4 =	vld [tilespmem:s15+$0xFFFFFE30]  }
0x14f: {  	v5 =	vld [tilespmem:s15+$0xFFFFFE40]  }
0x150: {  	v6 =	vld [tilespmem:s15+$0xFFFFFE50];
	v1 =	vadd.f32 v1, v0  }
0x151: {  	s0 =	simm.s32 $0x10580;
	v7 =	vld [tilespmem:s15+$0xFFFFFE60];
	v2 =	vadd.f32 v2, v0  }
0x152: {  	v8 =	vld [tilespmem:s15+$0xFFFFFE70];
	v3 =	vadd.f32 v3, v0;
	[tilespmem:s0+$0x70] =	vst v1  }
0x153: {  	[tilespmem:s0+$0xFFFFFE10] =	vst v2;
	v1 =	vadd.f32 v4, v0;
	v2 =	vld [tilespmem:s15+$0x0]  }
0x154: {  	v9 =	vld [tilespmem:s15+$0x10];
	[tilespmem:s0+$0xFFFFFE20] =	vst v3;
	v3 =	vadd.f32 v5, v0  }
0x155: {  	v10 =	vld [tilespmem:s15+$0x20];
	[tilespmem:s0+$0xFFFFFE30] =	vst v1;
	v1 =	vadd.f32 v6, v0  }
0x156: {  	v4 =	vadd.f32 v7, v0;
	v5 =	vld [tilespmem:s15+$0x30];
	[tilespmem:s0+$0xFFFFFE40] =	vst v3  }
0x157: {  	v3 =	vld [tilespmem:s15+$0x40];
	[tilespmem:s0+$0xFFFFFE50] =	vst v1;
	v1 =	vadd.f32 v8, v0  }
0x158: {  	[tilespmem:s0+$0xFFFFFE60] =	vst v4;
	v4 =	vld [tilespmem:s15+$0x50];
	v7 =	vadd.f32 v2, v0  }
0x159: {  	v6 =	vadd.f32 v9, v0;
	v2 =	vld [tilespmem:s15+$0x60];
	[tilespmem:s0+$0xFFFFFE70] =	vst v1  }
0x15a: {  	s14 =	simm.s32 $0x0;
	v1 =	vld [tilespmem:s15+$0xFFFFFE00];
	s15 =	simm.s32 $0x4980;
	[tilespmem:s0+$0x0] =	vst v7;
	v7 =	vadd.f32 v10, v0  }
.LBB2_18:
0x15b: {  	v8 =	vld [tilespmem:s15+$0x70];
	s14 =	sadd.s32 $0x10, s14;
	[tilespmem:s0+$0x10] =	vst v6;
	v5 =	vadd.f32 v5, v0  }
0x15c: {  	v6 =	vld [tilespmem:s15+$0xFFFFFE10];
	p1 =	slt.u32 s14, $0xF0;
	[tilespmem:s0+$0x20] =	vst v7;
	v3 =	vadd.f32 v3, v0  }
0x15d: {  	v7 =	vld [tilespmem:s15+$0xFFFFFE20];
	[tilespmem:s0+$0x30] =	vst v5;
	v4 =	vadd.f32 v4, v0  }
0x15e: {  	v5 =	vld [tilespmem:s15+$0xFFFFFE30];
	[tilespmem:s0+$0x40] =	vst v3;
	v2 =	vadd.f32 v2, v0  }
0x15f: {  	v3 =	vld [tilespmem:s15+$0xFFFFFE40];
	v1 =	vadd.f32 v1, v0;
	[tilespmem:s0+$0x50] =	vst v4  }
0x160: {  	v4 =	vld [tilespmem:s15+$0xFFFFFE50];
	v8 =	vadd.f32 v8, v0;
	[tilespmem:s0+$0x60] =	vst v2  }
0x161: {  	v2 =	vadd.f32 v6, v0;
	v6 =	vld [tilespmem:s15+$0xFFFFFE60];
	[tilespmem:s0+$0xFFFFFE00] =	vst v1;
	s0 =	sadd.s32 $0x400, s0  }
0x162: {  	v1 =	vadd.f32 v7, v0;
	v7 =	vld [tilespmem:s15+$0xFFFFFE70];
	[tilespmem:s0+$0x70] =	vst v8  }
0x163: {  	[tilespmem:s0+$0xFFFFFE10] =	vst v2;
	v2 =	vadd.f32 v5, v0;
	v8 =	vld [tilespmem:s15+$0x0]  }
0x164: {  	[tilespmem:s0+$0xFFFFFE20] =	vst v1;
	v1 =	vadd.f32 v3, v0;
	v9 =	vld [tilespmem:s15+$0x10]  }
0x165: {  	[tilespmem:s0+$0xFFFFFE30] =	vst v2;
	v2 =	vadd.f32 v4, v0;
	v10 =	vld [tilespmem:s15+$0x20]  }
.Ltmp10:
0x166: {  	[tilespmem:s0+$0xFFFFFE40] =	vst v1;
	v1 =	vadd.f32 v6, v0;
	v5 =	vld [tilespmem:s15+$0x30];
	(pc) =	sbr.rel @p1 .LBB2_18-.Ltmp10, $4  }
0x167: {  	[tilespmem:s0+$0xFFFFFE50] =	vst v2;
	v2 =	vadd.f32 v7, v0;
	v3 =	vld [tilespmem:s15+$0x40]  }
0x168: {  	[tilespmem:s0+$0xFFFFFE60] =	vst v1;
	v7 =	vadd.f32 v8, v0;
	v4 =	vld [tilespmem:s15+$0x50]  }
0x169: {  	[tilespmem:s0+$0xFFFFFE70] =	vst v2;
	v6 =	vadd.f32 v9, v0;
	v2 =	vld [tilespmem:s15+$0x60]  }
0x16a: {  	v1 =	vld [tilespmem:s15+$0xFFFFFE00];
	[tilespmem:s0+$0x0] =	vst v7;
	v7 =	vadd.f32 v10, v0;
	s15 =	sadd.s32 $0x400, s15  }
0x16b: {  	[tilespmem:s0+$0x10] =	vst v6;
	v5 =	vadd.f32 v5, v0  }
0x16c: {  	p1 =	sgt.u32 s26, $0x1F;
	[tilespmem:s0+$0x20] =	vst v7;
	v3 =	vadd.f32 v3, v0  }
0x16d: {  	s14 =	sadd.s32 @!p1 $0xC, s31;
	[tilespmem:s0+$0x30] =	vst v5;
	v4 =	vadd.f32 v4, v0  }
0x16e: {  	s15 =	sshll.u32 @!p1 s14, $0x4;
	[tilespmem:s0+$0x40] =	vst v3;
	v2 =	vadd.f32 v2, v0  }
0x16f: {  	s14 =	sshll.u32 @!p1 s14, $0x9;
	s15 =	sand.u32 @!p1 $0x40, s15;
	v0 =	vadd.f32 v1, v0;
	[tilespmem:s0+$0x50] =	vst v4  }
0x170: {  	s31 =	simm.s32 @!p1 $0x4200;
	s14 =	sand.u32 @!p1 $0xFFFF000, s14;
	s15 =	sadd.s32 @!p1 s1, s15;
	[tilespmem:s0+$0x60] =	vst v2  }
0x171: {  	s14 =	sadd.s32 @!p1 s14, s15;
	s15 =	simm.s32 @!p1 $0x400;
	[tilespmem:s0+$0xFFFFFE00] =	vst v0;
	s0 =	simm.s32 @!p1 $0x200  }
0x172: {  	[tilespmem:s31], [sflag:$0x2] =	stream.strided.gather @!p1 [hbm4b:s14+s0], $0x4000, s15, s0, $0x38;
	[tilespmem:$0x18200] =	vst v63  }
0x173: {  	s15 =	sadd.s32 s3, s2  }
0x174: {  	s0 =	sadd.s32 s30, s15  }
0x175: {  	[hbm4b:s0+s13] =	stream.strided.scatter [tilespmem:s22], [sflag:$0x5], $0x4000, s12, s13, $0x38;
	[tilespmem:$0x18200] =	vst v63  }
0x176: {  	_ =	swait.ge [sflag:s23], $0x4000  }
0x177: {  	[sflag:s23] =	ssyncset.done $0x0  }
0x178: {  	s0 =	simm.s32 @!p0 $0x6;
	[sflag:s23] =	ssyncadd.s32 $0xFFFFC000  }
0x179: {  	_ =	swait.ge @!p0 [sflag:s0], $0x4000  }
0x17a: {  	[sflag:s0] =	ssyncset.done @!p0 $0x0  }
0x17b: {  	[sflag:s0] =	ssyncadd.s32 @!p0 $0xFFFFC000  }
0x17c: {  	v0 =	vld [tilespmem:s29+$0x8]  }
0x17d: {  	s15 =	simm.s32 $0x8400  }
0x17e: {  	v2 =	vld [tilespmem:s15+$0x70]  }
0x17f: {  	v3 =	vld [tilespmem:s15+$0xFFFFFE10]  }
0x180: {  	v4 =	vld [tilespmem:s15+$0xFFFFFE20]  }
0x181: {  	v5 =	vld [tilespmem:s15+$0xFFFFFE30];
	v1 =	vbroadcast v0, $0x0  }
0x182: {  	v6 =	vld [tilespmem:s15+$0xFFFFFE40]  }
0x183: {  	v7 =	vld [tilespmem:s15+$0xFFFFFE50];
	v2 =	vadd.f32 v2, v1  }
0x184: {  	s0 =	simm.s32 $0x14400;
	v8 =	vld [tilespmem:s15+$0xFFFFFE60];
	v3 =	vadd.f32 v3, v1  }
0x185: {  	v9 =	vld [tilespmem:s15+$0xFFFFFE70];
	v4 =	vadd.f32 v4, v1;
	[tilespmem:s0+$0x70] =	vst v2  }
0x186: {  	[tilespmem:s0+$0xFFFFFE10] =	vst v3;
	v2 =	vadd.f32 v5, v1;
	v5 =	vld [tilespmem:s15+$0x0]  }
0x187: {  	[tilespmem:s0+$0xFFFFFE20] =	vst v4;
	v3 =	vadd.f32 v6, v1;
	v6 =	vld [tilespmem:s15+$0x10]  }
0x188: {  	v10 =	vld [tilespmem:s15+$0x20];
	v4 =	vadd.f32 v7, v1;
	[tilespmem:s0+$0xFFFFFE30] =	vst v2  }
0x189: {  	v7 =	vadd.f32 v8, v1;
	[tilespmem:s0+$0xFFFFFE40] =	vst v3;
	v2 =	vld [tilespmem:s15+$0x30]  }
0x18a: {  	s30 =	sadd.s32 $0x8, s29;
	v8 =	vadd.f32 v9, v1;
	[tilespmem:s0+$0xFFFFFE50] =	vst v4;
	v3 =	vld [tilespmem:s15+$0x40]  }
0x18b: {  	s2 =	sadd.s32 s5, s30;
	[tilespmem:s0+$0xFFFFFE60] =	vst v7;
	v4 =	vld [tilespmem:s15+$0x50];
	v9 =	vadd.f32 v5, v1  }
0x18c: {  	s31 =	sshll.u32 s2, $0x9;
	[tilespmem:s0+$0xFFFFFE70] =	vst v8;
	v5 =	vld [tilespmem:s15+$0x60];
	v7 =	vadd.f32 v6, v1  }
0x18d: {  	s14 =	simm.s32 $0x0;
	s29 =	sand.u32 $0xFFFF000, s31;
	v8 =	vadd.f32 v10, v1;
	v6 =	vld [tilespmem:s15+$0xFFFFFE00];
	s15 =	simm.s32 $0x8800;
	[tilespmem:s0+$0x0] =	vst v9  }
.LBB2_20:
0x18e: {  	v9 =	vld [tilespmem:s15+$0x70];
	s14 =	sadd.s32 $0x10, s14;
	[tilespmem:s0+$0x10] =	vst v7;
	v2 =	vadd.f32 v2, v1  }
0x18f: {  	v7 =	vld [tilespmem:s15+$0xFFFFFE10];
	p0 =	slt.u32 s14, $0xF0;
	[tilespmem:s0+$0x20] =	vst v8;
	v3 =	vadd.f32 v3, v1  }
0x190: {  	v8 =	vld [tilespmem:s15+$0xFFFFFE20];
	[tilespmem:s0+$0x30] =	vst v2;
	v2 =	vadd.f32 v4, v1  }
0x191: {  	v4 =	vld [tilespmem:s15+$0xFFFFFE30];
	[tilespmem:s0+$0x40] =	vst v3;
	v3 =	vadd.f32 v5, v1  }
0x192: {  	v5 =	vld [tilespmem:s15+$0xFFFFFE40];
	v6 =	vadd.f32 v6, v1;
	[tilespmem:s0+$0x50] =	vst v2  }
0x193: {  	v2 =	vld [tilespmem:s15+$0xFFFFFE50];
	v9 =	vadd.f32 v9, v1;
	[tilespmem:s0+$0x60] =	vst v3  }
0x194: {  	v3 =	vadd.f32 v7, v1;
	v7 =	vld [tilespmem:s15+$0xFFFFFE60];
	[tilespmem:s0+$0xFFFFFE00] =	vst v6;
	s0 =	sadd.s32 $0x400, s0  }
0x195: {  	v6 =	vadd.f32 v8, v1;
	v8 =	vld [tilespmem:s15+$0xFFFFFE70];
	[tilespmem:s0+$0x70] =	vst v9  }
0x196: {  	[tilespmem:s0+$0xFFFFFE10] =	vst v3;
	v3 =	vadd.f32 v4, v1;
	v4 =	vld [tilespmem:s15+$0x0]  }
0x197: {  	[tilespmem:s0+$0xFFFFFE20] =	vst v6;
	v5 =	vadd.f32 v5, v1;
	v6 =	vld [tilespmem:s15+$0x10]  }
0x198: {  	[tilespmem:s0+$0xFFFFFE30] =	vst v3;
	v3 =	vadd.f32 v2, v1;
	v9 =	vld [tilespmem:s15+$0x20]  }
.Ltmp11:
0x199: {  	[tilespmem:s0+$0xFFFFFE40] =	vst v5;
	v5 =	vadd.f32 v7, v1;
	v2 =	vld [tilespmem:s15+$0x30];
	(pc) =	sbr.rel @p0 .LBB2_20-.Ltmp11, $4  }
0x19a: {  	[tilespmem:s0+$0xFFFFFE50] =	vst v3;
	v7 =	vadd.f32 v8, v1;
	v3 =	vld [tilespmem:s15+$0x40]  }
0x19b: {  	[tilespmem:s0+$0xFFFFFE60] =	vst v5;
	v8 =	vadd.f32 v4, v1;
	v4 =	vld [tilespmem:s15+$0x50]  }
0x19c: {  	[tilespmem:s0+$0xFFFFFE70] =	vst v7;
	v7 =	vadd.f32 v6, v1;
	v5 =	vld [tilespmem:s15+$0x60]  }
0x19d: {  	v6 =	vld [tilespmem:s15+$0xFFFFFE00];
	[tilespmem:s0+$0x0] =	vst v8;
	v8 =	vadd.f32 v9, v1;
	s15 =	sadd.s32 $0x400, s15  }
0x19e: {  	[tilespmem:s0+$0x10] =	vst v7;
	v2 =	vadd.f32 v2, v1  }
0x19f: {  	[tilespmem:s0+$0x20] =	vst v8;
	v3 =	vadd.f32 v3, v1  }
0x1a0: {  	[tilespmem:s0+$0x30] =	vst v2;
	v2 =	vadd.f32 v4, v1  }
0x1a1: {  	[tilespmem:s0+$0x40] =	vst v3;
	v3 =	vadd.f32 v5, v1  }
0x1a2: {  	v1 =	vadd.f32 v6, v1;
	[tilespmem:s0+$0x50] =	vst v2  }
0x1a3: {  	[tilespmem:s0+$0x60] =	vst v3  }
0x1a4: {  	s15 =	simm.s32 $0x8480;
	[tilespmem:s0+$0xFFFFFE00] =	vst v1  }
0x1a5: {  	v2 =	vld [tilespmem:s15+$0x70]  }
0x1a6: {  	v3 =	vld [tilespmem:s15+$0xFFFFFE10]  }
0x1a7: {  	v4 =	vld [tilespmem:s15+$0xFFFFFE20]  }
0x1a8: {  	v1 =	vbroadcast v0, $0x1;
	v5 =	vld [tilespmem:s15+$0xFFFFFE30]  }
0x1a9: {  	v6 =	vld [tilespmem:s15+$0xFFFFFE40]  }
0x1aa: {  	v7 =	vld [tilespmem:s15+$0xFFFFFE50];
	v2 =	vadd.f32 v2, v1  }
0x1ab: {  	s0 =	simm.s32 $0x14480;
	v8 =	vld [tilespmem:s15+$0xFFFFFE60];
	v3 =	vadd.f32 v3, v1  }
0x1ac: {  	v9 =	vld [tilespmem:s15+$0xFFFFFE70];
	v4 =	vadd.f32 v4, v1;
	[tilespmem:s0+$0x70] =	vst v2  }
0x1ad: {  	[tilespmem:s0+$0xFFFFFE10] =	vst v3;
	v2 =	vadd.f32 v5, v1;
	v5 =	vld [tilespmem:s15+$0x0]  }
0x1ae: {  	[tilespmem:s0+$0xFFFFFE20] =	vst v4;
	v3 =	vadd.f32 v6, v1;
	v6 =	vld [tilespmem:s15+$0x10]  }
0x1af: {  	v10 =	vld [tilespmem:s15+$0x20];
	v4 =	vadd.f32 v7, v1;
	[tilespmem:s0+$0xFFFFFE30] =	vst v2  }
0x1b0: {  	v7 =	vadd.f32 v8, v1;
	[tilespmem:s0+$0xFFFFFE40] =	vst v3;
	v2 =	vld [tilespmem:s15+$0x30]  }
0x1b1: {  	v8 =	vadd.f32 v9, v1;
	[tilespmem:s0+$0xFFFFFE50] =	vst v4;
	v3 =	vld [tilespmem:s15+$0x40]  }
0x1b2: {  	[tilespmem:s0+$0xFFFFFE60] =	vst v7;
	v4 =	vld [tilespmem:s15+$0x50];
	v9 =	vadd.f32 v5, v1  }
0x1b3: {  	[tilespmem:s0+$0xFFFFFE70] =	vst v8;
	v5 =	vld [tilespmem:s15+$0x60];
	v7 =	vadd.f32 v6, v1  }
0x1b4: {  	s14 =	simm.s32 $0x0;
	v8 =	vadd.f32 v10, v1;
	v6 =	vld [tilespmem:s15+$0xFFFFFE00];
	s15 =	simm.s32 $0x8880;
	[tilespmem:s0+$0x0] =	vst v9  }
.LBB2_22:
0x1b5: {  	v9 =	vld [tilespmem:s15+$0x70];
	s14 =	sadd.s32 $0x10, s14;
	[tilespmem:s0+$0x10] =	vst v7;
	v2 =	vadd.f32 v2, v1  }
0x1b6: {  	v7 =	vld [tilespmem:s15+$0xFFFFFE10];
	p0 =	slt.u32 s14, $0xF0;
	[tilespmem:s0+$0x20] =	vst v8;
	v3 =	vadd.f32 v3, v1  }
0x1b7: {  	v8 =	vld [tilespmem:s15+$0xFFFFFE20];
	[tilespmem:s0+$0x30] =	vst v2;
	v2 =	vadd.f32 v4, v1  }
0x1b8: {  	v4 =	vld [tilespmem:s15+$0xFFFFFE30];
	[tilespmem:s0+$0x40] =	vst v3;
	v3 =	vadd.f32 v5, v1  }
0x1b9: {  	v5 =	vld [tilespmem:s15+$0xFFFFFE40];
	v6 =	vadd.f32 v6, v1;
	[tilespmem:s0+$0x50] =	vst v2  }
0x1ba: {  	v2 =	vld [tilespmem:s15+$0xFFFFFE50];
	v9 =	vadd.f32 v9, v1;
	[tilespmem:s0+$0x60] =	vst v3  }
0x1bb: {  	v3 =	vadd.f32 v7, v1;
	v7 =	vld [tilespmem:s15+$0xFFFFFE60];
	[tilespmem:s0+$0xFFFFFE00] =	vst v6;
	s0 =	sadd.s32 $0x400, s0  }
0x1bc: {  	v6 =	vadd.f32 v8, v1;
	v8 =	vld [tilespmem:s15+$0xFFFFFE70];
	[tilespmem:s0+$0x70] =	vst v9  }
0x1bd: {  	[tilespmem:s0+$0xFFFFFE10] =	vst v3;
	v3 =	vadd.f32 v4, v1;
	v4 =	vld [tilespmem:s15+$0x0]  }
0x1be: {  	[tilespmem:s0+$0xFFFFFE20] =	vst v6;
	v5 =	vadd.f32 v5, v1;
	v6 =	vld [tilespmem:s15+$0x10]  }
0x1bf: {  	[tilespmem:s0+$0xFFFFFE30] =	vst v3;
	v3 =	vadd.f32 v2, v1;
	v9 =	vld [tilespmem:s15+$0x20]  }
.Ltmp12:
0x1c0: {  	[tilespmem:s0+$0xFFFFFE40] =	vst v5;
	v5 =	vadd.f32 v7, v1;
	v2 =	vld [tilespmem:s15+$0x30];
	(pc) =	sbr.rel @p0 .LBB2_22-.Ltmp12, $4  }
0x1c1: {  	[tilespmem:s0+$0xFFFFFE50] =	vst v3;
	v7 =	vadd.f32 v8, v1;
	v3 =	vld [tilespmem:s15+$0x40]  }
0x1c2: {  	[tilespmem:s0+$0xFFFFFE60] =	vst v5;
	v8 =	vadd.f32 v4, v1;
	v4 =	vld [tilespmem:s15+$0x50]  }
0x1c3: {  	[tilespmem:s0+$0xFFFFFE70] =	vst v7;
	v7 =	vadd.f32 v6, v1;
	v5 =	vld [tilespmem:s15+$0x60]  }
0x1c4: {  	v6 =	vld [tilespmem:s15+$0xFFFFFE00];
	[tilespmem:s0+$0x0] =	vst v8;
	v8 =	vadd.f32 v9, v1;
	s15 =	sadd.s32 $0x400, s15  }
0x1c5: {  	[tilespmem:s0+$0x10] =	vst v7;
	v2 =	vadd.f32 v2, v1  }
0x1c6: {  	[tilespmem:s0+$0x20] =	vst v8;
	v3 =	vadd.f32 v3, v1  }
0x1c7: {  	[tilespmem:s0+$0x30] =	vst v2;
	v2 =	vadd.f32 v4, v1  }
0x1c8: {  	[tilespmem:s0+$0x40] =	vst v3;
	v3 =	vadd.f32 v5, v1  }
0x1c9: {  	v1 =	vadd.f32 v6, v1;
	[tilespmem:s0+$0x50] =	vst v2  }
0x1ca: {  	[tilespmem:s0+$0x60] =	vst v3  }
0x1cb: {  	s15 =	simm.s32 $0x8500;
	[tilespmem:s0+$0xFFFFFE00] =	vst v1  }
0x1cc: {  	v2 =	vld [tilespmem:s15+$0x70]  }
0x1cd: {  	v3 =	vld [tilespmem:s15+$0xFFFFFE10]  }
0x1ce: {  	v4 =	vld [tilespmem:s15+$0xFFFFFE20]  }
0x1cf: {  	v1 =	vbroadcast v0, $0x2;
	v5 =	vld [tilespmem:s15+$0xFFFFFE30]  }
0x1d0: {  	v6 =	vld [tilespmem:s15+$0xFFFFFE40]  }
0x1d1: {  	v7 =	vld [tilespmem:s15+$0xFFFFFE50];
	v2 =	vadd.f32 v2, v1  }
0x1d2: {  	s0 =	simm.s32 $0x14500;
	v8 =	vld [tilespmem:s15+$0xFFFFFE60];
	v3 =	vadd.f32 v3, v1  }
0x1d3: {  	v9 =	vld [tilespmem:s15+$0xFFFFFE70];
	v4 =	vadd.f32 v4, v1;
	[tilespmem:s0+$0x70] =	vst v2  }
0x1d4: {  	[tilespmem:s0+$0xFFFFFE10] =	vst v3;
	v2 =	vadd.f32 v5, v1;
	v5 =	vld [tilespmem:s15+$0x0]  }
0x1d5: {  	[tilespmem:s0+$0xFFFFFE20] =	vst v4;
	v3 =	vadd.f32 v6, v1;
	v6 =	vld [tilespmem:s15+$0x10]  }
0x1d6: {  	v10 =	vld [tilespmem:s15+$0x20];
	v4 =	vadd.f32 v7, v1;
	[tilespmem:s0+$0xFFFFFE30] =	vst v2  }
0x1d7: {  	v7 =	vadd.f32 v8, v1;
	[tilespmem:s0+$0xFFFFFE40] =	vst v3;
	v2 =	vld [tilespmem:s15+$0x30]  }
0x1d8: {  	v8 =	vadd.f32 v9, v1;
	[tilespmem:s0+$0xFFFFFE50] =	vst v4;
	v3 =	vld [tilespmem:s15+$0x40]  }
0x1d9: {  	[tilespmem:s0+$0xFFFFFE60] =	vst v7;
	v4 =	vld [tilespmem:s15+$0x50];
	v9 =	vadd.f32 v5, v1  }
0x1da: {  	[tilespmem:s0+$0xFFFFFE70] =	vst v8;
	v5 =	vld [tilespmem:s15+$0x60];
	v7 =	vadd.f32 v6, v1  }
0x1db: {  	s14 =	simm.s32 $0x0;
	v8 =	vadd.f32 v10, v1;
	v6 =	vld [tilespmem:s15+$0xFFFFFE00];
	s15 =	simm.s32 $0x8900;
	[tilespmem:s0+$0x0] =	vst v9  }
.LBB2_24:
0x1dc: {  	v9 =	vld [tilespmem:s15+$0x70];
	s14 =	sadd.s32 $0x10, s14;
	[tilespmem:s0+$0x10] =	vst v7;
	v2 =	vadd.f32 v2, v1  }
0x1dd: {  	v7 =	vld [tilespmem:s15+$0xFFFFFE10];
	p0 =	slt.u32 s14, $0xF0;
	[tilespmem:s0+$0x20] =	vst v8;
	v3 =	vadd.f32 v3, v1  }
0x1de: {  	v8 =	vld [tilespmem:s15+$0xFFFFFE20];
	[tilespmem:s0+$0x30] =	vst v2;
	v2 =	vadd.f32 v4, v1  }
0x1df: {  	v4 =	vld [tilespmem:s15+$0xFFFFFE30];
	[tilespmem:s0+$0x40] =	vst v3;
	v3 =	vadd.f32 v5, v1  }
0x1e0: {  	v5 =	vld [tilespmem:s15+$0xFFFFFE40];
	v6 =	vadd.f32 v6, v1;
	[tilespmem:s0+$0x50] =	vst v2  }
0x1e1: {  	v2 =	vld [tilespmem:s15+$0xFFFFFE50];
	v9 =	vadd.f32 v9, v1;
	[tilespmem:s0+$0x60] =	vst v3  }
0x1e2: {  	v3 =	vadd.f32 v7, v1;
	v7 =	vld [tilespmem:s15+$0xFFFFFE60];
	[tilespmem:s0+$0xFFFFFE00] =	vst v6;
	s0 =	sadd.s32 $0x400, s0  }
0x1e3: {  	v6 =	vadd.f32 v8, v1;
	v8 =	vld [tilespmem:s15+$0xFFFFFE70];
	[tilespmem:s0+$0x70] =	vst v9  }
0x1e4: {  	[tilespmem:s0+$0xFFFFFE10] =	vst v3;
	v3 =	vadd.f32 v4, v1;
	v4 =	vld [tilespmem:s15+$0x0]  }
0x1e5: {  	[tilespmem:s0+$0xFFFFFE20] =	vst v6;
	v5 =	vadd.f32 v5, v1;
	v6 =	vld [tilespmem:s15+$0x10]  }
0x1e6: {  	[tilespmem:s0+$0xFFFFFE30] =	vst v3;
	v3 =	vadd.f32 v2, v1;
	v9 =	vld [tilespmem:s15+$0x20]  }
.Ltmp13:
0x1e7: {  	[tilespmem:s0+$0xFFFFFE40] =	vst v5;
	v5 =	vadd.f32 v7, v1;
	v2 =	vld [tilespmem:s15+$0x30];
	(pc) =	sbr.rel @p0 .LBB2_24-.Ltmp13, $4  }
0x1e8: {  	[tilespmem:s0+$0xFFFFFE50] =	vst v3;
	v7 =	vadd.f32 v8, v1;
	v3 =	vld [tilespmem:s15+$0x40]  }
0x1e9: {  	[tilespmem:s0+$0xFFFFFE60] =	vst v5;
	v8 =	vadd.f32 v4, v1;
	v4 =	vld [tilespmem:s15+$0x50]  }
0x1ea: {  	[tilespmem:s0+$0xFFFFFE70] =	vst v7;
	v7 =	vadd.f32 v6, v1;
	v5 =	vld [tilespmem:s15+$0x60]  }
0x1eb: {  	v6 =	vld [tilespmem:s15+$0xFFFFFE00];
	[tilespmem:s0+$0x0] =	vst v8;
	v8 =	vadd.f32 v9, v1;
	s15 =	sadd.s32 $0x400, s15  }
0x1ec: {  	[tilespmem:s0+$0x10] =	vst v7;
	v2 =	vadd.f32 v2, v1  }
0x1ed: {  	[tilespmem:s0+$0x20] =	vst v8;
	v3 =	vadd.f32 v3, v1  }
0x1ee: {  	[tilespmem:s0+$0x30] =	vst v2;
	v2 =	vadd.f32 v4, v1  }
0x1ef: {  	[tilespmem:s0+$0x40] =	vst v3;
	v3 =	vadd.f32 v5, v1  }
0x1f0: {  	v1 =	vadd.f32 v6, v1;
	[tilespmem:s0+$0x50] =	vst v2  }
0x1f1: {  	[tilespmem:s0+$0x60] =	vst v3  }
0x1f2: {  	s15 =	simm.s32 $0x8580;
	[tilespmem:s0+$0xFFFFFE00] =	vst v1  }
0x1f3: {  	v1 =	vld [tilespmem:s15+$0x70]  }
0x1f4: {  	v2 =	vld [tilespmem:s15+$0xFFFFFE10]  }
0x1f5: {  	v3 =	vld [tilespmem:s15+$0xFFFFFE20]  }
0x1f6: {  	v0 =	vbroadcast v0, $0x3;
	v4 =	vld [tilespmem:s15+$0xFFFFFE30]  }
0x1f7: {  	v5 =	vld [tilespmem:s15+$0xFFFFFE40]  }
0x1f8: {  	v6 =	vld [tilespmem:s15+$0xFFFFFE50];
	v1 =	vadd.f32 v1, v0  }
0x1f9: {  	s0 =	simm.s32 $0x14580;
	v7 =	vld [tilespmem:s15+$0xFFFFFE60];
	v2 =	vadd.f32 v2, v0  }
0x1fa: {  	v8 =	vld [tilespmem:s15+$0xFFFFFE70];
	v3 =	vadd.f32 v3, v0;
	[tilespmem:s0+$0x70] =	vst v1  }
0x1fb: {  	[tilespmem:s0+$0xFFFFFE10] =	vst v2;
	v1 =	vadd.f32 v4, v0;
	v2 =	vld [tilespmem:s15+$0x0]  }
0x1fc: {  	v9 =	vld [tilespmem:s15+$0x10];
	[tilespmem:s0+$0xFFFFFE20] =	vst v3;
	v3 =	vadd.f32 v5, v0  }
0x1fd: {  	v10 =	vld [tilespmem:s15+$0x20];
	[tilespmem:s0+$0xFFFFFE30] =	vst v1;
	v1 =	vadd.f32 v6, v0  }
0x1fe: {  	v5 =	vadd.f32 v7, v0;
	[tilespmem:s0+$0xFFFFFE40] =	vst v3;
	v3 =	vld [tilespmem:s15+$0x30]  }
0x1ff: {  	v4 =	vld [tilespmem:s15+$0x40];
	[tilespmem:s0+$0xFFFFFE50] =	vst v1;
	v1 =	vadd.f32 v8, v0  }
0x200: {  	[tilespmem:s0+$0xFFFFFE60] =	vst v5;
	v5 =	vld [tilespmem:s15+$0x50];
	v7 =	vadd.f32 v2, v0  }
0x201: {  	v6 =	vadd.f32 v9, v0;
	v2 =	vld [tilespmem:s15+$0x60];
	[tilespmem:s0+$0xFFFFFE70] =	vst v1  }
0x202: {  	s14 =	simm.s32 $0x0;
	v1 =	vld [tilespmem:s15+$0xFFFFFE00];
	s15 =	simm.s32 $0x8980;
	[tilespmem:s0+$0x0] =	vst v7;
	v7 =	vadd.f32 v10, v0  }
.LBB2_26:
0x203: {  	v8 =	vld [tilespmem:s15+$0x70];
	s14 =	sadd.s32 $0x10, s14;
	[tilespmem:s0+$0x10] =	vst v6;
	v3 =	vadd.f32 v3, v0  }
0x204: {  	v6 =	vld [tilespmem:s15+$0xFFFFFE10];
	p0 =	slt.u32 s14, $0xF0;
	[tilespmem:s0+$0x20] =	vst v7;
	v4 =	vadd.f32 v4, v0  }
0x205: {  	v7 =	vld [tilespmem:s15+$0xFFFFFE20];
	[tilespmem:s0+$0x30] =	vst v3;
	v3 =	vadd.f32 v5, v0  }
0x206: {  	v5 =	vld [tilespmem:s15+$0xFFFFFE30];
	[tilespmem:s0+$0x40] =	vst v4;
	v2 =	vadd.f32 v2, v0  }
0x207: {  	v4 =	vld [tilespmem:s15+$0xFFFFFE40];
	v1 =	vadd.f32 v1, v0;
	[tilespmem:s0+$0x50] =	vst v3  }
0x208: {  	v3 =	vld [tilespmem:s15+$0xFFFFFE50];
	v8 =	vadd.f32 v8, v0;
	[tilespmem:s0+$0x60] =	vst v2  }
0x209: {  	v2 =	vadd.f32 v6, v0;
	v6 =	vld [tilespmem:s15+$0xFFFFFE60];
	[tilespmem:s0+$0xFFFFFE00] =	vst v1;
	s0 =	sadd.s32 $0x400, s0  }
0x20a: {  	v1 =	vadd.f32 v7, v0;
	v7 =	vld [tilespmem:s15+$0xFFFFFE70];
	[tilespmem:s0+$0x70] =	vst v8  }
0x20b: {  	[tilespmem:s0+$0xFFFFFE10] =	vst v2;
	v2 =	vadd.f32 v5, v0;
	v5 =	vld [tilespmem:s15+$0x0]  }
0x20c: {  	[tilespmem:s0+$0xFFFFFE20] =	vst v1;
	v1 =	vadd.f32 v4, v0;
	v8 =	vld [tilespmem:s15+$0x10]  }
0x20d: {  	[tilespmem:s0+$0xFFFFFE30] =	vst v2;
	v2 =	vadd.f32 v3, v0;
	v9 =	vld [tilespmem:s15+$0x20]  }
.Ltmp14:
0x20e: {  	[tilespmem:s0+$0xFFFFFE40] =	vst v1;
	v1 =	vadd.f32 v6, v0;
	v3 =	vld [tilespmem:s15+$0x30];
	(pc) =	sbr.rel @p0 .LBB2_26-.Ltmp14, $4  }
0x20f: {  	[tilespmem:s0+$0xFFFFFE50] =	vst v2;
	v2 =	vadd.f32 v7, v0;
	v4 =	vld [tilespmem:s15+$0x40]  }
0x210: {  	[tilespmem:s0+$0xFFFFFE60] =	vst v1;
	v7 =	vadd.f32 v5, v0;
	v5 =	vld [tilespmem:s15+$0x50]  }
0x211: {  	[tilespmem:s0+$0xFFFFFE70] =	vst v2;
	v6 =	vadd.f32 v8, v0;
	v2 =	vld [tilespmem:s15+$0x60]  }
0x212: {  	v1 =	vld [tilespmem:s15+$0xFFFFFE00];
	[tilespmem:s0+$0x0] =	vst v7;
	v7 =	vadd.f32 v9, v0;
	s15 =	sadd.s32 $0x400, s15  }
0x213: {  	[tilespmem:s0+$0x10] =	vst v6;
	v3 =	vadd.f32 v3, v0  }
0x214: {  	s2 =	sadd.s32 @!p1 $0xC, s2;
	[tilespmem:s0+$0x20] =	vst v7;
	v4 =	vadd.f32 v4, v0  }
0x215: {  	s15 =	simm.s32 @!p1 $0x8200;
	s14 =	sshll.u32 @!p1 s2, $0x4;
	[tilespmem:s0+$0x30] =	vst v3;
	v62 =	vadd.f32 v5, v0  }
0x216: {  	s26 =	sadd.s32 $0x1, s26;
	s2 =	sshll.u32 @!p1 s2, $0x9;
	s14 =	sand.u32 @!p1 $0x40, s14;
	[tilespmem:s0+$0x40] =	vst v4;
	v2 =	vadd.f32 v2, v0  }
0x217: {  	p0 =	sne.s32 s26, $0x22;
	s2 =	sand.u32 @!p1 $0xFFFF000, s2;
	s14 =	sadd.s32 @!p1 s1, s14;
	v63 =	vadd.f32 v1, v0;
	[tilespmem:s0+$0x50] =	vst v62  }
.Ltmp15:
0x218: {  	s31 =	sadd.s32 s3, s28;
	s2 =	sadd.s32 @!p1 s2, s14;
	[tilespmem:s0+$0x60] =	vst v2;
	(pc) =	sbr.rel @p0 .LBB2_2-.Ltmp15, $4  }
.Ltmp16:
0x219: {  	s14 =	simm.s32 @!p1 $0x400;
	[tilespmem:s0+$0xFFFFFE00] =	vst v63;
	s0 =	simm.s32 @!p1 $0x200;
	(pc) =	sbr.rel @!p0 .LBB2_28-.Ltmp16, $4  }
0x21a: {  	[tilespmem:s15], [sflag:$0x3] =	stream.strided.gather @!p1 [hbm4b:s2+s0], $0x4000, s14, s0, $0x38;
	[tilespmem:$0x18200] =	vst v63  }
0x21b: {  	s0 =	sadd.s32 s29, s31  }
0x21c: {  	[hbm4b:s0+s13] =	stream.strided.scatter [tilespmem:s24], [sflag:$0x6], $0x4000, s12, s13, $0x38;
	[tilespmem:$0x18200] =	vst v63  }
0x21d: {  	_ = 	snop  }
.LBB2_29:
0x21e: {  	_ =	sfence.sel $0x180000  }
0x21f: {  	[bflag:$0x0] =	sbarrier.arrive $0xFFFF  }
0x220: {  	_ =	strace $0x90000047  }
0x221: {  	s0 =	stileid.u32;
	[bflag:$0x2] =	sbarrier.arrive $0xFFFF  }
0x222: {  	p0 =	sne.s32 s0, $0x0;
	s0 =	rddreg [dreg:$0x3]  }
0x223: {  	s0 =	sadd.s32 @!p0 $0x100000, s0  }
0x224: {  	[sflag:s0] =	ssyncadd.tile.s32 @!p0 $0x1;
	_ =	shalt  }
.Lfunc_end2:
_tile_overlayer_lowered:
.L_overlay_start_2:
0x225: {  	(tag) =	ssettag $0x2  }
0x226: {  	s0 =	rddreg [dreg:$0x0];
	s2 =	stileid.u32  }
0x227: {  	s1 =	rddreg [dreg:$0x1];
	p0 =	sne.s32 s2, $0x0  }
0x228: {  	s3 =	rddreg [dreg:$0x2];
	[bflag:$0x3] =	sbarrier.arrive $0xFFFF;
	s2 =	simm.s32 @!p0 $0x1C07  }
0x229: {  	[timem:s3], [sflag:s2] =	dma.local @!p0 [hbm:s0], s1  }
0x22a: {  	s0 =	simm.s32 @!p0 $0x7  }
0x22b: {  	_ =	swait.ge @!p0 [sflag:s0], s1  }
0x22c: {  	s1 =	ssub.s32 @!p0 $0x0, s1;
	[sflag:s0] =	ssyncset.done @!p0 $0x0  }
0x22d: {  	[sflag:s0] =	ssyncadd.s32 @!p0 s1  }
0x22e: {  	[bflag:$0x3] =	sbarrier.arrive $0xFFFF  }
0x22f: {  	_ =	shalt  }

</sc_bundles>
